<compile_context>
chip_gen: v7x
topology: tpu7x:2x2x1
jax: 0.10.2.dev20260603
libtpu: 0.0.44.dev20260713+nightly
codegen_flags: <defaults>
</compile_context>

<pallas_src>
import functools

import jax
import jax.numpy as jnp
from jax import lax
from jax.experimental import pallas as pl
from jax.experimental.pallas import tpu as pltpu
from jax.experimental.pallas import tpu_sc as plsc

NC = 2
NS = 16
NW = NC * NS
NBUF = 4
FIRE_AHEAD = 2


def _sc_gather(table, ids2, b, s, d):
    v = table.shape[0]
    batches_per_w = b // NW
    mesh = plsc.VectorSubcoreMesh(
        core_axis_name="c", subcore_axis_name="s", num_cores=NC,
        num_subcores=NS)

    @functools.partial(
        pl.kernel,
        mesh=mesh,
        compiler_params=pltpu.CompilerParams(use_tc_tiling_on_sc=False),
        out_type=jax.ShapeDtypeStruct((b, s, 128), jnp.float32),
        scratch_types=[
            pltpu.VMEM((batches_per_w, s), jnp.int32),
            [pltpu.VMEM((s, d), jnp.float32)] * NBUF,
            pltpu.VMEM_SHARED((v, d), jnp.float32),
            [pltpu.SemaphoreType.DMA] * NBUF,
            [pltpu.SemaphoreType.DMA] * NBUF,
        ],
    )
    def k(table_hbm, idx_hbm, out_hbm, idx_v, rbufs, tab_sh, gsems, wsems):
        sid = lax.axis_index("s")
        wid = sid * NC + lax.axis_index("c")

        @pl.when(sid == 0)
        def _():
            pltpu.sync_copy(table_hbm, tab_sh)

        pltpu.sync_copy(idx_hbm.at[pl.ds(wid * batches_per_w,
                                         batches_per_w)], idx_v)
        plsc.subcore_barrier()

        n1 = min(s, 128)
        n2 = s - n1

        def fire(kk, r):
            pltpu.async_copy(
                tab_sh.at[idx_v.at[kk, pl.ds(0, n1)]],
                rbufs[r].at[pl.ds(0, n1)], gsems[r])
            if n2:
                pltpu.async_copy(
                    tab_sh.at[idx_v.at[kk, pl.ds(n1, n2)]],
                    rbufs[r].at[pl.ds(n1, n2)], gsems[r])

        def wait_g(r):
            pltpu.make_async_copy(
                tab_sh.at[idx_v.at[0, pl.ds(0, n1)]],
                rbufs[r].at[pl.ds(0, n1)], gsems[r]).wait()
            if n2:
                pltpu.make_async_copy(
                    tab_sh.at[idx_v.at[0, pl.ds(0, n2)]],
                    rbufs[r].at[pl.ds(n1, n2)], gsems[r]).wait()

        def write(kk, r):
            pltpu.async_copy(
                rbufs[r].at[:, pl.ds(0, d)],
                out_hbm.at[wid * batches_per_w + kk, :, pl.ds(0, d)],
                wsems[r])

        def wait_w(r):
            pltpu.make_async_copy(
                rbufs[r].at[:, pl.ds(0, d)],
                out_hbm.at[0, :, pl.ds(0, d)], wsems[r]).wait()

        for c in range(FIRE_AHEAD):
            fire(c, c % NBUF)

        def body(c2, carry):
            for u in range(NBUF):
                c = NBUF * c2 + u
                r = u
                wait_g(r)
                write(c, r)
                rn = (u + FIRE_AHEAD) % NBUF

                @pl.when(c + FIRE_AHEAD < batches_per_w)
                def _():
                    @pl.when(c - (NBUF - FIRE_AHEAD) >= 0)
                    def _():
                        wait_w(rn)

                    fire(c + FIRE_AHEAD, rn)

            return carry

        lax.fori_loop(0, batches_per_w // NBUF, body, 0)
        for r in range(NBUF):
            wait_w(r)

    return k(table, ids2)


def kernel(token_ids, embedding_table):
    b, s = token_ids.shape
    v, d = embedding_table.shape
    assert b % (NW * NBUF) == 0
    ids2 = token_ids.astype(jnp.int32)
    out = _sc_gather(embedding_table, ids2, b, s, d)
    return out[:, :, :d]

# --- scband reference (transcript-rebuilt; emitter-appended) ---
"""Pipeline reference for scband-special-token-encoder-19722489823366 (READ-ONLY COPY).

The authoritative reference and input builder live on the scoring server;
editing this copy changes nothing except your own understanding.
"""

import jax, jax.numpy as jnp
import numpy as np

N_TOKENS = 1000
OUTPUT_DIM = 64


def setup_inputs(seed: int = 0) -> dict:
    key = jax.random.key(seed)
    k_idx, k_tab = jax.random.split(key)
    token_ids = jax.random.randint(k_idx, (4096, 200), 0, N_TOKENS, dtype=jnp.int64 if jax.config.jax_enable_x64 else jnp.int32)
    embedding_table = jax.random.normal(k_tab, (N_TOKENS, OUTPUT_DIM), dtype=jnp.float32)
    return {"token_ids": token_ids, "embedding_table": embedding_table}


def reference(token_ids, embedding_table):
    # nn.Embedding forward: gather rows of the table by token id
    return jnp.take(embedding_table, token_ids, axis=0)

if __name__ == "__main__":
    import jax
    _d = setup_inputs()
    print(jax.jit(kernel)(*tuple(_d.values())))

</pallas_src>

<mosaic_0001>
#map = affine_map<(d0, d1) -> (0, 0)>
#map1 = affine_map<(d0, d1) -> (0, 0, 0)>
module attributes {stable_mosaic.version = 14 : i64} {
  func.func @k(%arg0: i32, %arg1: i32, %arg2: memref<1000x64xf32, #tpu.memory_space<hbm>>, %arg3: memref<4096x200xi32, #tpu.memory_space<hbm>>, %arg4: memref<4096x200x128xf32, #tpu.memory_space<hbm>>, %arg5: memref<128x200xi32, #tpu.memory_space<vmem>>, %arg6: memref<200x64xf32, #tpu.memory_space<vmem>>, %arg7: memref<200x64xf32, #tpu.memory_space<vmem>>, %arg8: memref<200x64xf32, #tpu.memory_space<vmem>>, %arg9: memref<200x64xf32, #tpu.memory_space<vmem>>, %arg10: memref<1000x64xf32, #tpu.memory_space<vmem_shared>>, %arg11: memref<!tpu.dma_semaphore, #tpu.memory_space<semaphore_mem>>, %arg12: memref<!tpu.dma_semaphore, #tpu.memory_space<semaphore_mem>>, %arg13: memref<!tpu.dma_semaphore, #tpu.memory_space<semaphore_mem>>, %arg14: memref<!tpu.dma_semaphore, #tpu.memory_space<semaphore_mem>>, %arg15: memref<!tpu.dma_semaphore, #tpu.memory_space<semaphore_mem>>, %arg16: memref<!tpu.dma_semaphore, #tpu.memory_space<semaphore_mem>>, %arg17: memref<!tpu.dma_semaphore, #tpu.memory_space<semaphore_mem>>, %arg18: memref<!tpu.dma_semaphore, #tpu.memory_space<semaphore_mem>>) attributes {dimension_semantics = [#tpu.dimension_semantics<core_parallel>, #tpu.dimension_semantics<subcore_parallel>], iteration_bounds = array<i64: 2, 16>, scalar_prefetch = 0 : i64, scratch_operands = 14 : i64, tpu.core_type = #tpu.core_type<sc_vector_subcore>, window_params = [{transform_indices = #map}, {transform_indices = #map}, {transform_indices = #map1}]} {
    %mul3A = arith.constant 2 : i32
    %mul3A_0 = arith.muli %arg1, %mul3A : i32
    %add3A = arith.addi %mul3A_0, %arg0 : i32
    %eq3A = arith.constant 0 : i32
    %eq3A_1 = arith.cmpi eq, %arg1, %eq3A : i32
    %convert_element_type3A = arith.extui %eq3A_1 : i1 to i32
    %cond3A = arith.constant 0 : i32
    %cond3A_2 = arith.cmpi ne, %convert_element_type3A, %cond3A : i32
    scf.if %cond3A_2 {
      "tpu.region"() ({
        %run_scoped3A = tpu.sem_alloc : memref<!tpu.dma_semaphore, #tpu.memory_space<semaphore_mem>>
        tpu.enqueue_dma source(%arg2 : memref<1000x64xf32, #tpu.memory_space<hbm>>) target(%arg10 : memref<1000x64xf32, #tpu.memory_space<vmem_shared>>) target_semaphore(%run_scoped3A : memref<!tpu.dma_semaphore, #tpu.memory_space<semaphore_mem>>)
        tpu.wait_dma2 semaphore(%run_scoped3A : memref<!tpu.dma_semaphore, #tpu.memory_space<semaphore_mem>>) src(%arg2 : memref<1000x64xf32, #tpu.memory_space<hbm>>) dst(%arg10 : memref<1000x64xf32, #tpu.memory_space<vmem_shared>>)
        tpu.yield
      }) : () -> ()
    } else {
    }
    %mul3A_3 = arith.constant 128 : i32
    %mul3A_4 = arith.muli %add3A, %mul3A_3 : i32
    "tpu.region"() ({
      %run_scoped3A = tpu.sem_alloc : memref<!tpu.dma_semaphore, #tpu.memory_space<semaphore_mem>>
      %dma_start3A_108 = arith.constant 0 : i32
      %dma_start3A_109 = tpu.memref_slice %arg3[%mul3A_4, %dma_start3A_108] : memref<4096x200xi32, #tpu.memory_space<hbm>> -> memref<128x200xi32, #tpu.memory_space<hbm>>
      %dma_start3A_110 = arith.constant 0 : i32
      %dma_start3A_111 = tpu.memref_slice %arg3[%mul3A_4, %dma_start3A_110] : memref<4096x200xi32, #tpu.memory_space<hbm>> -> memref<128x200xi32, #tpu.memory_space<hbm>>
      tpu.enqueue_dma source(%dma_start3A_111 : memref<128x200xi32, #tpu.memory_space<hbm>>) target(%arg5 : memref<128x200xi32, #tpu.memory_space<vmem>>) target_semaphore(%run_scoped3A : memref<!tpu.dma_semaphore, #tpu.memory_space<semaphore_mem>>)
      %dma_wait3A_112 = arith.constant 0 : i32
      %dma_wait3A_113 = tpu.memref_slice %arg3[%mul3A_4, %dma_wait3A_112] : memref<4096x200xi32, #tpu.memory_space<hbm>> -> memref<128x200xi32, #tpu.memory_space<hbm>>
      %dma_wait3A_114 = arith.constant 0 : i32
      %dma_wait3A_115 = tpu.memref_slice %arg3[%mul3A_4, %dma_wait3A_114] : memref<4096x200xi32, #tpu.memory_space<hbm>> -> memref<128x200xi32, #tpu.memory_space<hbm>>
      tpu.wait_dma2 semaphore(%run_scoped3A : memref<!tpu.dma_semaphore, #tpu.memory_space<semaphore_mem>>) src(%dma_wait3A_115 : memref<128x200xi32, #tpu.memory_space<hbm>>) dst(%arg5 : memref<128x200xi32, #tpu.memory_space<vmem>>)
      tpu.yield
    }) : () -> ()
    %barrier3A = arith.constant 0 : index
    tpu.barrier barrier_id(%barrier3A)
    %dma_start3A = arith.constant 0 : i32
    %dma_start3A_5 = arith.constant 0 : i32
    %dma_start3A_6 = arith.constant 0 : i32
    %dma_start3A_7 = tpu.memref_slice %arg6[%dma_start3A_5, %dma_start3A_6] : memref<200x64xf32, #tpu.memory_space<vmem>> -> memref<128x64xf32, #tpu.memory_space<vmem>>
    %dma_start3A_8 = arith.constant 0 : i32
    %dma_start3A_9 = tpu.memref_slice %arg5[%dma_start3A, %dma_start3A_8] : memref<128x200xi32, #tpu.memory_space<vmem>> -> memref<1x128xi32, #tpu.memory_space<vmem>>
    %dma_start3A_10 = tpu.memref_squeeze %dma_start3A_9 : memref<1x128xi32, #tpu.memory_space<vmem>> -> memref<128xi32, #tpu.memory_space<vmem>>
    %dma_start3A_11 = arith.constant 0 : i32
    %dma_start3A_12 = arith.constant 0 : i32
    %dma_start3A_13 = tpu.memref_slice %arg10[%dma_start3A_11, %dma_start3A_12] : memref<1000x64xf32, #tpu.memory_space<vmem_shared>> -> memref<1000x64xf32, #tpu.memory_space<vmem_shared>>
    tpu.enqueue_indirect_dma source(%dma_start3A_13 : memref<1000x64xf32, #tpu.memory_space<vmem_shared>>) target(%dma_start3A_7 : memref<128x64xf32, #tpu.memory_space<vmem>>) offsets(%dma_start3A_10 : memref<128xi32, #tpu.memory_space<vmem>>) semaphore(%arg11 : memref<!tpu.dma_semaphore, #tpu.memory_space<semaphore_mem>>)
    %dma_start3A_14 = arith.constant 0 : i32
    %dma_start3A_15 = arith.constant 128 : i32
    %dma_start3A_16 = arith.constant 0 : i32
    %dma_start3A_17 = tpu.memref_slice %arg6[%dma_start3A_15, %dma_start3A_16] : memref<200x64xf32, #tpu.memory_space<vmem>> -> memref<72x64xf32, #tpu.memory_space<vmem>>
    %dma_start3A_18 = arith.constant 128 : i32
    %dma_start3A_19 = tpu.memref_slice %arg5[%dma_start3A_14, %dma_start3A_18] : memref<128x200xi32, #tpu.memory_space<vmem>> -> memref<1x72xi32, #tpu.memory_space<vmem>>
    %dma_start3A_20 = tpu.memref_squeeze %dma_start3A_19 : memref<1x72xi32, #tpu.memory_space<vmem>> -> memref<72xi32, #tpu.memory_space<vmem>>
    %dma_start3A_21 = arith.constant 0 : i32
    %dma_start3A_22 = arith.constant 0 : i32
    %dma_start3A_23 = tpu.memref_slice %arg10[%dma_start3A_21, %dma_start3A_22] : memref<1000x64xf32, #tpu.memory_space<vmem_shared>> -> memref<1000x64xf32, #tpu.memory_space<vmem_shared>>
    tpu.enqueue_indirect_dma source(%dma_start3A_23 : memref<1000x64xf32, #tpu.memory_space<vmem_shared>>) target(%dma_start3A_17 : memref<72x64xf32, #tpu.memory_space<vmem>>) offsets(%dma_start3A_20 : memref<72xi32, #tpu.memory_space<vmem>>) semaphore(%arg11 : memref<!tpu.dma_semaphore, #tpu.memory_space<semaphore_mem>>)
    %dma_start3A_24 = arith.constant 1 : i32
    %dma_start3A_25 = arith.constant 0 : i32
    %dma_start3A_26 = arith.constant 0 : i32
    %dma_start3A_27 = tpu.memref_slice %arg7[%dma_start3A_25, %dma_start3A_26] : memref<200x64xf32, #tpu.memory_space<vmem>> -> memref<128x64xf32, #tpu.memory_space<vmem>>
    %dma_start3A_28 = arith.constant 0 : i32
    %dma_start3A_29 = tpu.memref_slice %arg5[%dma_start3A_24, %dma_start3A_28] : memref<128x200xi32, #tpu.memory_space<vmem>> -> memref<1x128xi32, #tpu.memory_space<vmem>>
    %dma_start3A_30 = tpu.memref_squeeze %dma_start3A_29 : memref<1x128xi32, #tpu.memory_space<vmem>> -> memref<128xi32, #tpu.memory_space<vmem>>
    %dma_start3A_31 = arith.constant 0 : i32
    %dma_start3A_32 = arith.constant 0 : i32
    %dma_start3A_33 = tpu.memref_slice %arg10[%dma_start3A_31, %dma_start3A_32] : memref<1000x64xf32, #tpu.memory_space<vmem_shared>> -> memref<1000x64xf32, #tpu.memory_space<vmem_shared>>
    tpu.enqueue_indirect_dma source(%dma_start3A_33 : memref<1000x64xf32, #tpu.memory_space<vmem_shared>>) target(%dma_start3A_27 : memref<128x64xf32, #tpu.memory_space<vmem>>) offsets(%dma_start3A_30 : memref<128xi32, #tpu.memory_space<vmem>>) semaphore(%arg12 : memref<!tpu.dma_semaphore, #tpu.memory_space<semaphore_mem>>)
    %dma_start3A_34 = arith.constant 1 : i32
    %dma_start3A_35 = arith.constant 128 : i32
    %dma_start3A_36 = arith.constant 0 : i32
    %dma_start3A_37 = tpu.memref_slice %arg7[%dma_start3A_35, %dma_start3A_36] : memref<200x64xf32, #tpu.memory_space<vmem>> -> memref<72x64xf32, #tpu.memory_space<vmem>>
    %dma_start3A_38 = arith.constant 128 : i32
    %dma_start3A_39 = tpu.memref_slice %arg5[%dma_start3A_34, %dma_start3A_38] : memref<128x200xi32, #tpu.memory_space<vmem>> -> memref<1x72xi32, #tpu.memory_space<vmem>>
    %dma_start3A_40 = tpu.memref_squeeze %dma_start3A_39 : memref<1x72xi32, #tpu.memory_space<vmem>> -> memref<72xi32, #tpu.memory_space<vmem>>
    %dma_start3A_41 = arith.constant 0 : i32
    %dma_start3A_42 = arith.constant 0 : i32
    %dma_start3A_43 = tpu.memref_slice %arg10[%dma_start3A_41, %dma_start3A_42] : memref<1000x64xf32, #tpu.memory_space<vmem_shared>> -> memref<1000x64xf32, #tpu.memory_space<vmem_shared>>
    tpu.enqueue_indirect_dma source(%dma_start3A_43 : memref<1000x64xf32, #tpu.memory_space<vmem_shared>>) target(%dma_start3A_37 : memref<72x64xf32, #tpu.memory_space<vmem>>) offsets(%dma_start3A_40 : memref<72xi32, #tpu.memory_space<vmem>>) semaphore(%arg12 : memref<!tpu.dma_semaphore, #tpu.memory_space<semaphore_mem>>)
    %scan3A = arith.constant 0 : i32
    %scan3A_44 = arith.constant 0 : i32
    %scan3A_45 = arith.constant 32 : i32
    %scan3A_46 = arith.addi %scan3A_44, %scan3A_45 : i32
    %scan3A_47 = arith.constant 1 : i32
    scf.for %scan3A_108 = %scan3A_44 to %scan3A_46 step %scan3A_47  : i32 {
      %mul3A_109 = arith.constant 4 : i32
      %mul3A_110 = arith.muli %mul3A_109, %scan3A_108 : i32
      %add3A_111 = arith.constant 0 : i32
      %add3A_112 = arith.addi %mul3A_110, %add3A_111 : i32
      %dma_wait3A_113 = arith.constant 0 : i32
      %dma_wait3A_114 = arith.constant 0 : i32
      %dma_wait3A_115 = arith.constant 0 : i32
      %dma_wait3A_116 = tpu.memref_slice %arg6[%dma_wait3A_114, %dma_wait3A_115] : memref<200x64xf32, #tpu.memory_space<vmem>> -> memref<128x64xf32, #tpu.memory_space<vmem>>
      %dma_wait3A_117 = arith.constant 0 : i32
      %dma_wait3A_118 = tpu.memref_slice %arg5[%dma_wait3A_113, %dma_wait3A_117] : memref<128x200xi32, #tpu.memory_space<vmem>> -> memref<1x128xi32, #tpu.memory_space<vmem>>
      %dma_wait3A_119 = tpu.memref_squeeze %dma_wait3A_118 : memref<1x128xi32, #tpu.memory_space<vmem>> -> memref<128xi32, #tpu.memory_space<vmem>>
      %dma_wait3A_120 = arith.constant 0 : i32
      %dma_wait3A_121 = arith.constant 0 : i32
      %dma_wait3A_122 = tpu.memref_slice %arg10[%dma_wait3A_120, %dma_wait3A_121] : memref<1000x64xf32, #tpu.memory_space<vmem_shared>> -> memref<1000x64xf32, #tpu.memory_space<vmem_shared>>
      tpu.wait_indirect_dma semaphore(%arg11 : memref<!tpu.dma_semaphore, #tpu.memory_space<semaphore_mem>>) src(%dma_wait3A_122 : memref<1000x64xf32, #tpu.memory_space<vmem_shared>>) dst(%dma_wait3A_116 : memref<128x64xf32, #tpu.memory_space<vmem>>)
      %dma_wait3A_123 = arith.constant 0 : i32
      %dma_wait3A_124 = arith.constant 128 : i32
      %dma_wait3A_125 = arith.constant 0 : i32
      %dma_wait3A_126 = tpu.memref_slice %arg6[%dma_wait3A_124, %dma_wait3A_125] : memref<200x64xf32, #tpu.memory_space<vmem>> -> memref<72x64xf32, #tpu.memory_space<vmem>>
      %dma_wait3A_127 = arith.constant 0 : i32
      %dma_wait3A_128 = tpu.memref_slice %arg5[%dma_wait3A_123, %dma_wait3A_127] : memref<128x200xi32, #tpu.memory_space<vmem>> -> memref<1x72xi32, #tpu.memory_space<vmem>>
      %dma_wait3A_129 = tpu.memref_squeeze %dma_wait3A_128 : memref<1x72xi32, #tpu.memory_space<vmem>> -> memref<72xi32, #tpu.memory_space<vmem>>
      %dma_wait3A_130 = arith.constant 0 : i32
      %dma_wait3A_131 = arith.constant 0 : i32
      %dma_wait3A_132 = tpu.memref_slice %arg10[%dma_wait3A_130, %dma_wait3A_131] : memref<1000x64xf32, #tpu.memory_space<vmem_shared>> -> memref<1000x64xf32, #tpu.memory_space<vmem_shared>>
      tpu.wait_indirect_dma semaphore(%arg11 : memref<!tpu.dma_semaphore, #tpu.memory_space<semaphore_mem>>) src(%dma_wait3A_132 : memref<1000x64xf32, #tpu.memory_space<vmem_shared>>) dst(%dma_wait3A_126 : memref<72x64xf32, #tpu.memory_space<vmem>>)
      %mul3A_133 = arith.constant 128 : i32
      %mul3A_134 = arith.muli %add3A, %mul3A_133 : i32
      %add3A_135 = arith.addi %mul3A_134, %add3A_112 : i32
      %dma_start3A_136 = arith.constant 0 : i32
      %dma_start3A_137 = arith.constant 0 : i32
      %dma_start3A_138 = tpu.memref_slice %arg6[%dma_start3A_136, %dma_start3A_137] : memref<200x64xf32, #tpu.memory_space<vmem>> -> memref<200x64xf32, #tpu.memory_space<vmem>>
      %dma_start3A_139 = arith.constant 0 : i32
      %dma_start3A_140 = arith.constant 0 : i32
      %dma_start3A_141 = tpu.memref_slice %arg4[%add3A_135, %dma_start3A_139, %dma_start3A_140] : memref<4096x200x128xf32, #tpu.memory_space<hbm>> -> memref<1x200x64xf32, #tpu.memory_space<hbm>>
      %dma_start3A_142 = tpu.memref_squeeze %dma_start3A_141 : memref<1x200x64xf32, #tpu.memory_space<hbm>> -> memref<200x64xf32, #tpu.memory_space<hbm>>
      %dma_start3A_143 = arith.constant 0 : i32
      %dma_start3A_144 = arith.constant 0 : i32
      %dma_start3A_145 = tpu.memref_slice %arg4[%add3A_135, %dma_start3A_143, %dma_start3A_144] : memref<4096x200x128xf32, #tpu.memory_space<hbm>> -> memref<1x200x64xf32, #tpu.memory_space<hbm>>
      %dma_start3A_146 = tpu.memref_squeeze %dma_start3A_145 : memref<1x200x64xf32, #tpu.memory_space<hbm>> -> memref<200x64xf32, #tpu.memory_space<hbm>>
      %dma_start3A_147 = arith.constant 0 : i32
      %dma_start3A_148 = arith.constant 0 : i32
      %dma_start3A_149 = tpu.memref_slice %arg6[%dma_start3A_147, %dma_start3A_148] : memref<200x64xf32, #tpu.memory_space<vmem>> -> memref<200x64xf32, #tpu.memory_space<vmem>>
      tpu.enqueue_dma source(%dma_start3A_149 : memref<200x64xf32, #tpu.memory_space<vmem>>) target(%dma_start3A_146 : memref<200x64xf32, #tpu.memory_space<hbm>>) target_semaphore(%arg15 : memref<!tpu.dma_semaphore, #tpu.memory_space<semaphore_mem>>)
      %add3A_150 = arith.constant 2 : i32
      %add3A_151 = arith.addi %add3A_112, %add3A_150 : i32
      %lt3A = arith.constant 128 : i32
      %lt3A_152 = arith.cmpi slt, %add3A_151, %lt3A : i32
      %convert_element_type3A_153 = arith.extui %lt3A_152 : i1 to i32
      %cond3A_154 = arith.constant 0 : i32
      %cond3A_155 = arith.cmpi ne, %convert_element_type3A_153, %cond3A_154 : i32
      scf.if %cond3A_155 {
        %sub3A = arith.constant 2 : i32
        %sub3A_300 = arith.subi %add3A_112, %sub3A : i32
        %ge3A = arith.constant 0 : i32
        %ge3A_301 = arith.cmpi sge, %sub3A_300, %ge3A : i32
        %convert_element_type3A_302 = arith.extui %ge3A_301 : i1 to i32
        %cond3A_303 = arith.constant 0 : i32
        %cond3A_304 = arith.cmpi ne, %convert_element_type3A_302, %cond3A_303 : i32
        scf.if %cond3A_304 {
          %dma_wait3A_325 = arith.constant 0 : i32
          %dma_wait3A_326 = arith.constant 0 : i32
          %dma_wait3A_327 = arith.constant 0 : i32
          %dma_wait3A_328 = tpu.memref_slice %arg8[%dma_wait3A_326, %dma_wait3A_327] : memref<200x64xf32, #tpu.memory_space<vmem>> -> memref<200x64xf32, #tpu.memory_space<vmem>>
          %dma_wait3A_329 = arith.constant 0 : i32
          %dma_wait3A_330 = arith.constant 0 : i32
          %dma_wait3A_331 = tpu.memref_slice %arg4[%dma_wait3A_325, %dma_wait3A_329, %dma_wait3A_330] : memref<4096x200x128xf32, #tpu.memory_space<hbm>> -> memref<1x200x64xf32, #tpu.memory_space<hbm>>
          %dma_wait3A_332 = tpu.memref_squeeze %dma_wait3A_331 : memref<1x200x64xf32, #tpu.memory_space<hbm>> -> memref<200x64xf32, #tpu.memory_space<hbm>>
          %dma_wait3A_333 = arith.constant 0 : i32
          %dma_wait3A_334 = arith.constant 0 : i32
          %dma_wait3A_335 = tpu.memref_slice %arg4[%dma_wait3A_325, %dma_wait3A_333, %dma_wait3A_334] : memref<4096x200x128xf32, #tpu.memory_space<hbm>> -> memref<1x200x64xf32, #tpu.memory_space<hbm>>
          %dma_wait3A_336 = tpu.memref_squeeze %dma_wait3A_335 : memref<1x200x64xf32, #tpu.memory_space<hbm>> -> memref<200x64xf32, #tpu.memory_space<hbm>>
          %dma_wait3A_337 = arith.constant 0 : i32
          %dma_wait3A_338 = arith.constant 0 : i32
          %dma_wait3A_339 = tpu.memref_slice %arg8[%dma_wait3A_337, %dma_wait3A_338] : memref<200x64xf32, #tpu.memory_space<vmem>> -> memref<200x64xf32, #tpu.memory_space<vmem>>
          tpu.wait_dma2 semaphore(%arg17 : memref<!tpu.dma_semaphore, #tpu.memory_space<semaphore_mem>>) src(%dma_wait3A_339 : memref<200x64xf32, #tpu.memory_space<vmem>>) dst(%dma_wait3A_336 : memref<200x64xf32, #tpu.memory_space<hbm>>)
        } else {
        }
        %add3A_305 = arith.constant 2 : i32
        %add3A_306 = arith.addi %add3A_112, %add3A_305 : i32
        %dma_start3A_307 = arith.constant 0 : i32
        %dma_start3A_308 = arith.constant 0 : i32
        %dma_start3A_309 = tpu.memref_slice %arg8[%dma_start3A_307, %dma_start3A_308] : memref<200x64xf32, #tpu.memory_space<vmem>> -> memref<128x64xf32, #tpu.memory_space<vmem>>
        %dma_start3A_310 = arith.constant 0 : i32
        %dma_start3A_311 = tpu.memref_slice %arg5[%add3A_306, %dma_start3A_310] : memref<128x200xi32, #tpu.memory_space<vmem>> -> memref<1x128xi32, #tpu.memory_space<vmem>>
        %dma_start3A_312 = tpu.memref_squeeze %dma_start3A_311 : memref<1x128xi32, #tpu.memory_space<vmem>> -> memref<128xi32, #tpu.memory_space<vmem>>
        %dma_start3A_313 = arith.constant 0 : i32
        %dma_start3A_314 = arith.constant 0 : i32
        %dma_start3A_315 = tpu.memref_slice %arg10[%dma_start3A_313, %dma_start3A_314] : memref<1000x64xf32, #tpu.memory_space<vmem_shared>> -> memref<1000x64xf32, #tpu.memory_space<vmem_shared>>
        tpu.enqueue_indirect_dma source(%dma_start3A_315 : memref<1000x64xf32, #tpu.memory_space<vmem_shared>>) target(%dma_start3A_309 : memref<128x64xf32, #tpu.memory_space<vmem>>) offsets(%dma_start3A_312 : memref<128xi32, #tpu.memory_space<vmem>>) semaphore(%arg13 : memref<!tpu.dma_semaphore, #tpu.memory_space<semaphore_mem>>)
        %dma_start3A_316 = arith.constant 128 : i32
        %dma_start3A_317 = arith.constant 0 : i32
        %dma_start3A_318 = tpu.memref_slice %arg8[%dma_start3A_316, %dma_start3A_317] : memref<200x64xf32, #tpu.memory_space<vmem>> -> memref<72x64xf32, #tpu.memory_space<vmem>>
        %dma_start3A_319 = arith.constant 128 : i32
        %dma_start3A_320 = tpu.memref_slice %arg5[%add3A_306, %dma_start3A_319] : memref<128x200xi32, #tpu.memory_space<vmem>> -> memref<1x72xi32, #tpu.memory_space<vmem>>
        %dma_start3A_321 = tpu.memref_squeeze %dma_start3A_320 : memref<1x72xi32, #tpu.memory_space<vmem>> -> memref<72xi32, #tpu.memory_space<vmem>>
        %dma_start3A_322 = arith.constant 0 : i32
        %dma_start3A_323 = arith.constant 0 : i32
        %dma_start3A_324 = tpu.memref_slice %arg10[%dma_start3A_322, %dma_start3A_323] : memref<1000x64xf32, #tpu.memory_space<vmem_shared>> -> memref<1000x64xf32, #tpu.memory_space<vmem_shared>>
        tpu.enqueue_indirect_dma source(%dma_start3A_324 : memref<1000x64xf32, #tpu.memory_space<vmem_shared>>) target(%dma_start3A_318 : memref<72x64xf32, #tpu.memory_space<vmem>>) offsets(%dma_start3A_321 : memref<72xi32, #tpu.memory_space<vmem>>) semaphore(%arg13 : memref<!tpu.dma_semaphore, #tpu.memory_space<semaphore_mem>>)
      } else {
      }
      %mul3A_156 = arith.constant 4 : i32
      %mul3A_157 = arith.muli %mul3A_156, %scan3A_108 : i32
      %add3A_158 = arith.constant 1 : i32
      %add3A_159 = arith.addi %mul3A_157, %add3A_158 : i32
      %dma_wait3A_160 = arith.constant 0 : i32
      %dma_wait3A_161 = arith.constant 0 : i32
      %dma_wait3A_162 = arith.constant 0 : i32
      %dma_wait3A_163 = tpu.memref_slice %arg7[%dma_wait3A_161, %dma_wait3A_162] : memref<200x64xf32, #tpu.memory_space<vmem>> -> memref<128x64xf32, #tpu.memory_space<vmem>>
      %dma_wait3A_164 = arith.constant 0 : i32
      %dma_wait3A_165 = tpu.memref_slice %arg5[%dma_wait3A_160, %dma_wait3A_164] : memref<128x200xi32, #tpu.memory_space<vmem>> -> memref<1x128xi32, #tpu.memory_space<vmem>>
      %dma_wait3A_166 = tpu.memref_squeeze %dma_wait3A_165 : memref<1x128xi32, #tpu.memory_space<vmem>> -> memref<128xi32, #tpu.memory_space<vmem>>
      %dma_wait3A_167 = arith.constant 0 : i32
      %dma_wait3A_168 = arith.constant 0 : i32
      %dma_wait3A_169 = tpu.memref_slice %arg10[%dma_wait3A_167, %dma_wait3A_168] : memref<1000x64xf32, #tpu.memory_space<vmem_shared>> -> memref<1000x64xf32, #tpu.memory_space<vmem_shared>>
      tpu.wait_indirect_dma semaphore(%arg12 : memref<!tpu.dma_semaphore, #tpu.memory_space<semaphore_mem>>) src(%dma_wait3A_169 : memref<1000x64xf32, #tpu.memory_space<vmem_shared>>) dst(%dma_wait3A_163 : memref<128x64xf32, #tpu.memory_space<vmem>>)
      %dma_wait3A_170 = arith.constant 0 : i32
      %dma_wait3A_171 = arith.constant 128 : i32
      %dma_wait3A_172 = arith.constant 0 : i32
      %dma_wait3A_173 = tpu.memref_slice %arg7[%dma_wait3A_171, %dma_wait3A_172] : memref<200x64xf32, #tpu.memory_space<vmem>> -> memref<72x64xf32, #tpu.memory_space<vmem>>
      %dma_wait3A_174 = arith.constant 0 : i32
      %dma_wait3A_175 = tpu.memref_slice %arg5[%dma_wait3A_170, %dma_wait3A_174] : memref<128x200xi32, #tpu.memory_space<vmem>> -> memref<1x72xi32, #tpu.memory_space<vmem>>
      %dma_wait3A_176 = tpu.memref_squeeze %dma_wait3A_175 : memref<1x72xi32, #tpu.memory_space<vmem>> -> memref<72xi32, #tpu.memory_space<vmem>>
      %dma_wait3A_177 = arith.constant 0 : i32
      %dma_wait3A_178 = arith.constant 0 : i32
      %dma_wait3A_179 = tpu.memref_slice %arg10[%dma_wait3A_177, %dma_wait3A_178] : memref<1000x64xf32, #tpu.memory_space<vmem_shared>> -> memref<1000x64xf32, #tpu.memory_space<vmem_shared>>
      tpu.wait_indirect_dma semaphore(%arg12 : memref<!tpu.dma_semaphore, #tpu.memory_space<semaphore_mem>>) src(%dma_wait3A_179 : memref<1000x64xf32, #tpu.memory_space<vmem_shared>>) dst(%dma_wait3A_173 : memref<72x64xf32, #tpu.memory_space<vmem>>)
      %mul3A_180 = arith.constant 128 : i32
      %mul3A_181 = arith.muli %add3A, %mul3A_180 : i32
      %add3A_182 = arith.addi %mul3A_181, %add3A_159 : i32
      %dma_start3A_183 = arith.constant 0 : i32
      %dma_start3A_184 = arith.constant 0 : i32
      %dma_start3A_185 = tpu.memref_slice %arg7[%dma_start3A_183, %dma_start3A_184] : memref<200x64xf32, #tpu.memory_space<vmem>> -> memref<200x64xf32, #tpu.memory_space<vmem>>
      %dma_start3A_186 = arith.constant 0 : i32
      %dma_start3A_187 = arith.constant 0 : i32
      %dma_start3A_188 = tpu.memref_slice %arg4[%add3A_182, %dma_start3A_186, %dma_start3A_187] : memref<4096x200x128xf32, #tpu.memory_space<hbm>> -> memref<1x200x64xf32, #tpu.memory_space<hbm>>
      %dma_start3A_189 = tpu.memref_squeeze %dma_start3A_188 : memref<1x200x64xf32, #tpu.memory_space<hbm>> -> memref<200x64xf32, #tpu.memory_space<hbm>>
      %dma_start3A_190 = arith.constant 0 : i32
      %dma_start3A_191 = arith.constant 0 : i32
      %dma_start3A_192 = tpu.memref_slice %arg4[%add3A_182, %dma_start3A_190, %dma_start3A_191] : memref<4096x200x128xf32, #tpu.memory_space<hbm>> -> memref<1x200x64xf32, #tpu.memory_space<hbm>>
      %dma_start3A_193 = tpu.memref_squeeze %dma_start3A_192 : memref<1x200x64xf32, #tpu.memory_space<hbm>> -> memref<200x64xf32, #tpu.memory_space<hbm>>
      %dma_start3A_194 = arith.constant 0 : i32
      %dma_start3A_195 = arith.constant 0 : i32
      %dma_start3A_196 = tpu.memref_slice %arg7[%dma_start3A_194, %dma_start3A_195] : memref<200x64xf32, #tpu.memory_space<vmem>> -> memref<200x64xf32, #tpu.memory_space<vmem>>
      tpu.enqueue_dma source(%dma_start3A_196 : memref<200x64xf32, #tpu.memory_space<vmem>>) target(%dma_start3A_193 : memref<200x64xf32, #tpu.memory_space<hbm>>) target_semaphore(%arg16 : memref<!tpu.dma_semaphore, #tpu.memory_space<semaphore_mem>>)
      %add3A_197 = arith.constant 2 : i32
      %add3A_198 = arith.addi %add3A_159, %add3A_197 : i32
      %lt3A_199 = arith.constant 128 : i32
      %lt3A_200 = arith.cmpi slt, %add3A_198, %lt3A_199 : i32
      %convert_element_type3A_201 = arith.extui %lt3A_200 : i1 to i32
      %cond3A_202 = arith.constant 0 : i32
      %cond3A_203 = arith.cmpi ne, %convert_element_type3A_201, %cond3A_202 : i32
      scf.if %cond3A_203 {
        %sub3A = arith.constant 2 : i32
        %sub3A_300 = arith.subi %add3A_159, %sub3A : i32
        %ge3A = arith.constant 0 : i32
        %ge3A_301 = arith.cmpi sge, %sub3A_300, %ge3A : i32
        %convert_element_type3A_302 = arith.extui %ge3A_301 : i1 to i32
        %cond3A_303 = arith.constant 0 : i32
        %cond3A_304 = arith.cmpi ne, %convert_element_type3A_302, %cond3A_303 : i32
        scf.if %cond3A_304 {
          %dma_wait3A_325 = arith.constant 0 : i32
          %dma_wait3A_326 = arith.constant 0 : i32
          %dma_wait3A_327 = arith.constant 0 : i32
          %dma_wait3A_328 = tpu.memref_slice %arg9[%dma_wait3A_326, %dma_wait3A_327] : memref<200x64xf32, #tpu.memory_space<vmem>> -> memref<200x64xf32, #tpu.memory_space<vmem>>
          %dma_wait3A_329 = arith.constant 0 : i32
          %dma_wait3A_330 = arith.constant 0 : i32
          %dma_wait3A_331 = tpu.memref_slice %arg4[%dma_wait3A_325, %dma_wait3A_329, %dma_wait3A_330] : memref<4096x200x128xf32, #tpu.memory_space<hbm>> -> memref<1x200x64xf32, #tpu.memory_space<hbm>>
          %dma_wait3A_332 = tpu.memref_squeeze %dma_wait3A_331 : memref<1x200x64xf32, #tpu.memory_space<hbm>> -> memref<200x64xf32, #tpu.memory_space<hbm>>
          %dma_wait3A_333 = arith.constant 0 : i32
          %dma_wait3A_334 = arith.constant 0 : i32
          %dma_wait3A_335 = tpu.memref_slice %arg4[%dma_wait3A_325, %dma_wait3A_333, %dma_wait3A_334] : memref<4096x200x128xf32, #tpu.memory_space<hbm>> -> memref<1x200x64xf32, #tpu.memory_space<hbm>>
          %dma_wait3A_336 = tpu.memref_squeeze %dma_wait3A_335 : memref<1x200x64xf32, #tpu.memory_space<hbm>> -> memref<200x64xf32, #tpu.memory_space<hbm>>
          %dma_wait3A_337 = arith.constant 0 : i32
          %dma_wait3A_338 = arith.constant 0 : i32
          %dma_wait3A_339 = tpu.memref_slice %arg9[%dma_wait3A_337, %dma_wait3A_338] : memref<200x64xf32, #tpu.memory_space<vmem>> -> memref<200x64xf32, #tpu.memory_space<vmem>>
          tpu.wait_dma2 semaphore(%arg18 : memref<!tpu.dma_semaphore, #tpu.memory_space<semaphore_mem>>) src(%dma_wait3A_339 : memref<200x64xf32, #tpu.memory_space<vmem>>) dst(%dma_wait3A_336 : memref<200x64xf32, #tpu.memory_space<hbm>>)
        } else {
        }
        %add3A_305 = arith.constant 2 : i32
        %add3A_306 = arith.addi %add3A_159, %add3A_305 : i32
        %dma_start3A_307 = arith.constant 0 : i32
        %dma_start3A_308 = arith.constant 0 : i32
        %dma_start3A_309 = tpu.memref_slice %arg9[%dma_start3A_307, %dma_start3A_308] : memref<200x64xf32, #tpu.memory_space<vmem>> -> memref<128x64xf32, #tpu.memory_space<vmem>>
        %dma_start3A_310 = arith.constant 0 : i32
        %dma_start3A_311 = tpu.memref_slice %arg5[%add3A_306, %dma_start3A_310] : memref<128x200xi32, #tpu.memory_space<vmem>> -> memref<1x128xi32, #tpu.memory_space<vmem>>
        %dma_start3A_312 = tpu.memref_squeeze %dma_start3A_311 : memref<1x128xi32, #tpu.memory_space<vmem>> -> memref<128xi32, #tpu.memory_space<vmem>>
        %dma_start3A_313 = arith.constant 0 : i32
        %dma_start3A_314 = arith.constant 0 : i32
        %dma_start3A_315 = tpu.memref_slice %arg10[%dma_start3A_313, %dma_start3A_314] : memref<1000x64xf32, #tpu.memory_space<vmem_shared>> -> memref<1000x64xf32, #tpu.memory_space<vmem_shared>>
        tpu.enqueue_indirect_dma source(%dma_start3A_315 : memref<1000x64xf32, #tpu.memory_space<vmem_shared>>) target(%dma_start3A_309 : memref<128x64xf32, #tpu.memory_space<vmem>>) offsets(%dma_start3A_312 : memref<128xi32, #tpu.memory_space<vmem>>) semaphore(%arg14 : memref<!tpu.dma_semaphore, #tpu.memory_space<semaphore_mem>>)
        %dma_start3A_316 = arith.constant 128 : i32
        %dma_start3A_317 = arith.constant 0 : i32
        %dma_start3A_318 = tpu.memref_slice %arg9[%dma_start3A_316, %dma_start3A_317] : memref<200x64xf32, #tpu.memory_space<vmem>> -> memref<72x64xf32, #tpu.memory_space<vmem>>
        %dma_start3A_319 = arith.constant 128 : i32
        %dma_start3A_320 = tpu.memref_slice %arg5[%add3A_306, %dma_start3A_319] : memref<128x200xi32, #tpu.memory_space<vmem>> -> memref<1x72xi32, #tpu.memory_space<vmem>>
        %dma_start3A_321 = tpu.memref_squeeze %dma_start3A_320 : memref<1x72xi32, #tpu.memory_space<vmem>> -> memref<72xi32, #tpu.memory_space<vmem>>
        %dma_start3A_322 = arith.constant 0 : i32
        %dma_start3A_323 = arith.constant 0 : i32
        %dma_start3A_324 = tpu.memref_slice %arg10[%dma_start3A_322, %dma_start3A_323] : memref<1000x64xf32, #tpu.memory_space<vmem_shared>> -> memref<1000x64xf32, #tpu.memory_space<vmem_shared>>
        tpu.enqueue_indirect_dma source(%dma_start3A_324 : memref<1000x64xf32, #tpu.memory_space<vmem_shared>>) target(%dma_start3A_318 : memref<72x64xf32, #tpu.memory_space<vmem>>) offsets(%dma_start3A_321 : memref<72xi32, #tpu.memory_space<vmem>>) semaphore(%arg14 : memref<!tpu.dma_semaphore, #tpu.memory_space<semaphore_mem>>)
      } else {
      }
      %mul3A_204 = arith.constant 4 : i32
      %mul3A_205 = arith.muli %mul3A_204, %scan3A_108 : i32
      %add3A_206 = arith.constant 2 : i32
      %add3A_207 = arith.addi %mul3A_205, %add3A_206 : i32
      %dma_wait3A_208 = arith.constant 0 : i32
      %dma_wait3A_209 = arith.constant 0 : i32
      %dma_wait3A_210 = arith.constant 0 : i32
      %dma_wait3A_211 = tpu.memref_slice %arg8[%dma_wait3A_209, %dma_wait3A_210] : memref<200x64xf32, #tpu.memory_space<vmem>> -> memref<128x64xf32, #tpu.memory_space<vmem>>
      %dma_wait3A_212 = arith.constant 0 : i32
      %dma_wait3A_213 = tpu.memref_slice %arg5[%dma_wait3A_208, %dma_wait3A_212] : memref<128x200xi32, #tpu.memory_space<vmem>> -> memref<1x128xi32, #tpu.memory_space<vmem>>
      %dma_wait3A_214 = tpu.memref_squeeze %dma_wait3A_213 : memref<1x128xi32, #tpu.memory_space<vmem>> -> memref<128xi32, #tpu.memory_space<vmem>>
      %dma_wait3A_215 = arith.constant 0 : i32
      %dma_wait3A_216 = arith.constant 0 : i32
      %dma_wait3A_217 = tpu.memref_slice %arg10[%dma_wait3A_215, %dma_wait3A_216] : memref<1000x64xf32, #tpu.memory_space<vmem_shared>> -> memref<1000x64xf32, #tpu.memory_space<vmem_shared>>
      tpu.wait_indirect_dma semaphore(%arg13 : memref<!tpu.dma_semaphore, #tpu.memory_space<semaphore_mem>>) src(%dma_wait3A_217 : memref<1000x64xf32, #tpu.memory_space<vmem_shared>>) dst(%dma_wait3A_211 : memref<128x64xf32, #tpu.memory_space<vmem>>)
      %dma_wait3A_218 = arith.constant 0 : i32
      %dma_wait3A_219 = arith.constant 128 : i32
      %dma_wait3A_220 = arith.constant 0 : i32
      %dma_wait3A_221 = tpu.memref_slice %arg8[%dma_wait3A_219, %dma_wait3A_220] : memref<200x64xf32, #tpu.memory_space<vmem>> -> memref<72x64xf32, #tpu.memory_space<vmem>>
      %dma_wait3A_222 = arith.constant 0 : i32
      %dma_wait3A_223 = tpu.memref_slice %arg5[%dma_wait3A_218, %dma_wait3A_222] : memref<128x200xi32, #tpu.memory_space<vmem>> -> memref<1x72xi32, #tpu.memory_space<vmem>>
      %dma_wait3A_224 = tpu.memref_squeeze %dma_wait3A_223 : memref<1x72xi32, #tpu.memory_space<vmem>> -> memref<72xi32, #tpu.memory_space<vmem>>
      %dma_wait3A_225 = arith.constant 0 : i32
      %dma_wait3A_226 = arith.constant 0 : i32
      %dma_wait3A_227 = tpu.memref_slice %arg10[%dma_wait3A_225, %dma_wait3A_226] : memref<1000x64xf32, #tpu.memory_space<vmem_shared>> -> memref<1000x64xf32, #tpu.memory_space<vmem_shared>>
      tpu.wait_indirect_dma semaphore(%arg13 : memref<!tpu.dma_semaphore, #tpu.memory_space<semaphore_mem>>) src(%dma_wait3A_227 : memref<1000x64xf32, #tpu.memory_space<vmem_shared>>) dst(%dma_wait3A_221 : memref<72x64xf32, #tpu.memory_space<vmem>>)
      %mul3A_228 = arith.constant 128 : i32
      %mul3A_229 = arith.muli %add3A, %mul3A_228 : i32
      %add3A_230 = arith.addi %mul3A_229, %add3A_207 : i32
      %dma_start3A_231 = arith.constant 0 : i32
      %dma_start3A_232 = arith.constant 0 : i32
      %dma_start3A_233 = tpu.memref_slice %arg8[%dma_start3A_231, %dma_start3A_232] : memref<200x64xf32, #tpu.memory_space<vmem>> -> memref<200x64xf32, #tpu.memory_space<vmem>>
      %dma_start3A_234 = arith.constant 0 : i32
      %dma_start3A_235 = arith.constant 0 : i32
      %dma_start3A_236 = tpu.memref_slice %arg4[%add3A_230, %dma_start3A_234, %dma_start3A_235] : memref<4096x200x128xf32, #tpu.memory_space<hbm>> -> memref<1x200x64xf32, #tpu.memory_space<hbm>>
      %dma_start3A_237 = tpu.memref_squeeze %dma_start3A_236 : memref<1x200x64xf32, #tpu.memory_space<hbm>> -> memref<200x64xf32, #tpu.memory_space<hbm>>
      %dma_start3A_238 = arith.constant 0 : i32
      %dma_start3A_239 = arith.constant 0 : i32
      %dma_start3A_240 = tpu.memref_slice %arg4[%add3A_230, %dma_start3A_238, %dma_start3A_239] : memref<4096x200x128xf32, #tpu.memory_space<hbm>> -> memref<1x200x64xf32, #tpu.memory_space<hbm>>
      %dma_start3A_241 = tpu.memref_squeeze %dma_start3A_240 : memref<1x200x64xf32, #tpu.memory_space<hbm>> -> memref<200x64xf32, #tpu.memory_space<hbm>>
      %dma_start3A_242 = arith.constant 0 : i32
      %dma_start3A_243 = arith.constant 0 : i32
      %dma_start3A_244 = tpu.memref_slice %arg8[%dma_start3A_242, %dma_start3A_243] : memref<200x64xf32, #tpu.memory_space<vmem>> -> memref<200x64xf32, #tpu.memory_space<vmem>>
      tpu.enqueue_dma source(%dma_start3A_244 : memref<200x64xf32, #tpu.memory_space<vmem>>) target(%dma_start3A_241 : memref<200x64xf32, #tpu.memory_space<hbm>>) target_semaphore(%arg17 : memref<!tpu.dma_semaphore, #tpu.memory_space<semaphore_mem>>)
      %add3A_245 = arith.constant 2 : i32
      %add3A_246 = arith.addi %add3A_207, %add3A_245 : i32
      %lt3A_247 = arith.constant 128 : i32
      %lt3A_248 = arith.cmpi slt, %add3A_246, %lt3A_247 : i32
      %convert_element_type3A_249 = arith.extui %lt3A_248 : i1 to i32
      %cond3A_250 = arith.constant 0 : i32
      %cond3A_251 = arith.cmpi ne, %convert_element_type3A_249, %cond3A_250 : i32
      scf.if %cond3A_251 {
        %sub3A = arith.constant 2 : i32
        %sub3A_300 = arith.subi %add3A_207, %sub3A : i32
        %ge3A = arith.constant 0 : i32
        %ge3A_301 = arith.cmpi sge, %sub3A_300, %ge3A : i32
        %convert_element_type3A_302 = arith.extui %ge3A_301 : i1 to i32
        %cond3A_303 = arith.constant 0 : i32
        %cond3A_304 = arith.cmpi ne, %convert_element_type3A_302, %cond3A_303 : i32
        scf.if %cond3A_304 {
          %dma_wait3A_325 = arith.constant 0 : i32
          %dma_wait3A_326 = arith.constant 0 : i32
          %dma_wait3A_327 = arith.constant 0 : i32
          %dma_wait3A_328 = tpu.memref_slice %arg6[%dma_wait3A_326, %dma_wait3A_327] : memref<200x64xf32, #tpu.memory_space<vmem>> -> memref<200x64xf32, #tpu.memory_space<vmem>>
          %dma_wait3A_329 = arith.constant 0 : i32
          %dma_wait3A_330 = arith.constant 0 : i32
          %dma_wait3A_331 = tpu.memref_slice %arg4[%dma_wait3A_325, %dma_wait3A_329, %dma_wait3A_330] : memref<4096x200x128xf32, #tpu.memory_space<hbm>> -> memref<1x200x64xf32, #tpu.memory_space<hbm>>
          %dma_wait3A_332 = tpu.memref_squeeze %dma_wait3A_331 : memref<1x200x64xf32, #tpu.memory_space<hbm>> -> memref<200x64xf32, #tpu.memory_space<hbm>>
          %dma_wait3A_333 = arith.constant 0 : i32
          %dma_wait3A_334 = arith.constant 0 : i32
          %dma_wait3A_335 = tpu.memref_slice %arg4[%dma_wait3A_325, %dma_wait3A_333, %dma_wait3A_334] : memref<4096x200x128xf32, #tpu.memory_space<hbm>> -> memref<1x200x64xf32, #tpu.memory_space<hbm>>
          %dma_wait3A_336 = tpu.memref_squeeze %dma_wait3A_335 : memref<1x200x64xf32, #tpu.memory_space<hbm>> -> memref<200x64xf32, #tpu.memory_space<hbm>>
          %dma_wait3A_337 = arith.constant 0 : i32
          %dma_wait3A_338 = arith.constant 0 : i32
          %dma_wait3A_339 = tpu.memref_slice %arg6[%dma_wait3A_337, %dma_wait3A_338] : memref<200x64xf32, #tpu.memory_space<vmem>> -> memref<200x64xf32, #tpu.memory_space<vmem>>
          tpu.wait_dma2 semaphore(%arg15 : memref<!tpu.dma_semaphore, #tpu.memory_space<semaphore_mem>>) src(%dma_wait3A_339 : memref<200x64xf32, #tpu.memory_space<vmem>>) dst(%dma_wait3A_336 : memref<200x64xf32, #tpu.memory_space<hbm>>)
        } else {
        }
        %add3A_305 = arith.constant 2 : i32
        %add3A_306 = arith.addi %add3A_207, %add3A_305 : i32
        %dma_start3A_307 = arith.constant 0 : i32
        %dma_start3A_308 = arith.constant 0 : i32
        %dma_start3A_309 = tpu.memref_slice %arg6[%dma_start3A_307, %dma_start3A_308] : memref<200x64xf32, #tpu.memory_space<vmem>> -> memref<128x64xf32, #tpu.memory_space<vmem>>
        %dma_start3A_310 = arith.constant 0 : i32
        %dma_start3A_311 = tpu.memref_slice %arg5[%add3A_306, %dma_start3A_310] : memref<128x200xi32, #tpu.memory_space<vmem>> -> memref<1x128xi32, #tpu.memory_space<vmem>>
        %dma_start3A_312 = tpu.memref_squeeze %dma_start3A_311 : memref<1x128xi32, #tpu.memory_space<vmem>> -> memref<128xi32, #tpu.memory_space<vmem>>
        %dma_start3A_313 = arith.constant 0 : i32
        %dma_start3A_314 = arith.constant 0 : i32
        %dma_start3A_315 = tpu.memref_slice %arg10[%dma_start3A_313, %dma_start3A_314] : memref<1000x64xf32, #tpu.memory_space<vmem_shared>> -> memref<1000x64xf32, #tpu.memory_space<vmem_shared>>
        tpu.enqueue_indirect_dma source(%dma_start3A_315 : memref<1000x64xf32, #tpu.memory_space<vmem_shared>>) target(%dma_start3A_309 : memref<128x64xf32, #tpu.memory_space<vmem>>) offsets(%dma_start3A_312 : memref<128xi32, #tpu.memory_space<vmem>>) semaphore(%arg11 : memref<!tpu.dma_semaphore, #tpu.memory_space<semaphore_mem>>)
        %dma_start3A_316 = arith.constant 128 : i32
        %dma_start3A_317 = arith.constant 0 : i32
        %dma_start3A_318 = tpu.memref_slice %arg6[%dma_start3A_316, %dma_start3A_317] : memref<200x64xf32, #tpu.memory_space<vmem>> -> memref<72x64xf32, #tpu.memory_space<vmem>>
        %dma_start3A_319 = arith.constant 128 : i32
        %dma_start3A_320 = tpu.memref_slice %arg5[%add3A_306, %dma_start3A_319] : memref<128x200xi32, #tpu.memory_space<vmem>> -> memref<1x72xi32, #tpu.memory_space<vmem>>
        %dma_start3A_321 = tpu.memref_squeeze %dma_start3A_320 : memref<1x72xi32, #tpu.memory_space<vmem>> -> memref<72xi32, #tpu.memory_space<vmem>>
        %dma_start3A_322 = arith.constant 0 : i32
        %dma_start3A_323 = arith.constant 0 : i32
        %dma_start3A_324 = tpu.memref_slice %arg10[%dma_start3A_322, %dma_start3A_323] : memref<1000x64xf32, #tpu.memory_space<vmem_shared>> -> memref<1000x64xf32, #tpu.memory_space<vmem_shared>>
        tpu.enqueue_indirect_dma source(%dma_start3A_324 : memref<1000x64xf32, #tpu.memory_space<vmem_shared>>) target(%dma_start3A_318 : memref<72x64xf32, #tpu.memory_space<vmem>>) offsets(%dma_start3A_321 : memref<72xi32, #tpu.memory_space<vmem>>) semaphore(%arg11 : memref<!tpu.dma_semaphore, #tpu.memory_space<semaphore_mem>>)
      } else {
      }
      %mul3A_252 = arith.constant 4 : i32
      %mul3A_253 = arith.muli %mul3A_252, %scan3A_108 : i32
      %add3A_254 = arith.constant 3 : i32
      %add3A_255 = arith.addi %mul3A_253, %add3A_254 : i32
      %dma_wait3A_256 = arith.constant 0 : i32
      %dma_wait3A_257 = arith.constant 0 : i32
      %dma_wait3A_258 = arith.constant 0 : i32
      %dma_wait3A_259 = tpu.memref_slice %arg9[%dma_wait3A_257, %dma_wait3A_258] : memref<200x64xf32, #tpu.memory_space<vmem>> -> memref<128x64xf32, #tpu.memory_space<vmem>>
      %dma_wait3A_260 = arith.constant 0 : i32
      %dma_wait3A_261 = tpu.memref_slice %arg5[%dma_wait3A_256, %dma_wait3A_260] : memref<128x200xi32, #tpu.memory_space<vmem>> -> memref<1x128xi32, #tpu.memory_space<vmem>>
      %dma_wait3A_262 = tpu.memref_squeeze %dma_wait3A_261 : memref<1x128xi32, #tpu.memory_space<vmem>> -> memref<128xi32, #tpu.memory_space<vmem>>
      %dma_wait3A_263 = arith.constant 0 : i32
      %dma_wait3A_264 = arith.constant 0 : i32
      %dma_wait3A_265 = tpu.memref_slice %arg10[%dma_wait3A_263, %dma_wait3A_264] : memref<1000x64xf32, #tpu.memory_space<vmem_shared>> -> memref<1000x64xf32, #tpu.memory_space<vmem_shared>>
      tpu.wait_indirect_dma semaphore(%arg14 : memref<!tpu.dma_semaphore, #tpu.memory_space<semaphore_mem>>) src(%dma_wait3A_265 : memref<1000x64xf32, #tpu.memory_space<vmem_shared>>) dst(%dma_wait3A_259 : memref<128x64xf32, #tpu.memory_space<vmem>>)
      %dma_wait3A_266 = arith.constant 0 : i32
      %dma_wait3A_267 = arith.constant 128 : i32
      %dma_wait3A_268 = arith.constant 0 : i32
      %dma_wait3A_269 = tpu.memref_slice %arg9[%dma_wait3A_267, %dma_wait3A_268] : memref<200x64xf32, #tpu.memory_space<vmem>> -> memref<72x64xf32, #tpu.memory_space<vmem>>
      %dma_wait3A_270 = arith.constant 0 : i32
      %dma_wait3A_271 = tpu.memref_slice %arg5[%dma_wait3A_266, %dma_wait3A_270] : memref<128x200xi32, #tpu.memory_space<vmem>> -> memref<1x72xi32, #tpu.memory_space<vmem>>
      %dma_wait3A_272 = tpu.memref_squeeze %dma_wait3A_271 : memref<1x72xi32, #tpu.memory_space<vmem>> -> memref<72xi32, #tpu.memory_space<vmem>>
      %dma_wait3A_273 = arith.constant 0 : i32
      %dma_wait3A_274 = arith.constant 0 : i32
      %dma_wait3A_275 = tpu.memref_slice %arg10[%dma_wait3A_273, %dma_wait3A_274] : memref<1000x64xf32, #tpu.memory_space<vmem_shared>> -> memref<1000x64xf32, #tpu.memory_space<vmem_shared>>
      tpu.wait_indirect_dma semaphore(%arg14 : memref<!tpu.dma_semaphore, #tpu.memory_space<semaphore_mem>>) src(%dma_wait3A_275 : memref<1000x64xf32, #tpu.memory_space<vmem_shared>>) dst(%dma_wait3A_269 : memref<72x64xf32, #tpu.memory_space<vmem>>)
      %mul3A_276 = arith.constant 128 : i32
      %mul3A_277 = arith.muli %add3A, %mul3A_276 : i32
      %add3A_278 = arith.addi %mul3A_277, %add3A_255 : i32
      %dma_start3A_279 = arith.constant 0 : i32
      %dma_start3A_280 = arith.constant 0 : i32
      %dma_start3A_281 = tpu.memref_slice %arg9[%dma_start3A_279, %dma_start3A_280] : memref<200x64xf32, #tpu.memory_space<vmem>> -> memref<200x64xf32, #tpu.memory_space<vmem>>
      %dma_start3A_282 = arith.constant 0 : i32
      %dma_start3A_283 = arith.constant 0 : i32
      %dma_start3A_284 = tpu.memref_slice %arg4[%add3A_278, %dma_start3A_282, %dma_start3A_283] : memref<4096x200x128xf32, #tpu.memory_space<hbm>> -> memref<1x200x64xf32, #tpu.memory_space<hbm>>
      %dma_start3A_285 = tpu.memref_squeeze %dma_start3A_284 : memref<1x200x64xf32, #tpu.memory_space<hbm>> -> memref<200x64xf32, #tpu.memory_space<hbm>>
      %dma_start3A_286 = arith.constant 0 : i32
      %dma_start3A_287 = arith.constant 0 : i32
      %dma_start3A_288 = tpu.memref_slice %arg4[%add3A_278, %dma_start3A_286, %dma_start3A_287] : memref<4096x200x128xf32, #tpu.memory_space<hbm>> -> memref<1x200x64xf32, #tpu.memory_space<hbm>>
      %dma_start3A_289 = tpu.memref_squeeze %dma_start3A_288 : memref<1x200x64xf32, #tpu.memory_space<hbm>> -> memref<200x64xf32, #tpu.memory_space<hbm>>
      %dma_start3A_290 = arith.constant 0 : i32
      %dma_start3A_291 = arith.constant 0 : i32
      %dma_start3A_292 = tpu.memref_slice %arg9[%dma_start3A_290, %dma_start3A_291] : memref<200x64xf32, #tpu.memory_space<vmem>> -> memref<200x64xf32, #tpu.memory_space<vmem>>
      tpu.enqueue_dma source(%dma_start3A_292 : memref<200x64xf32, #tpu.memory_space<vmem>>) target(%dma_start3A_289 : memref<200x64xf32, #tpu.memory_space<hbm>>) target_semaphore(%arg18 : memref<!tpu.dma_semaphore, #tpu.memory_space<semaphore_mem>>)
      %add3A_293 = arith.constant 2 : i32
      %add3A_294 = arith.addi %add3A_255, %add3A_293 : i32
      %lt3A_295 = arith.constant 128 : i32
      %lt3A_296 = arith.cmpi slt, %add3A_294, %lt3A_295 : i32
      %convert_element_type3A_297 = arith.extui %lt3A_296 : i1 to i32
      %cond3A_298 = arith.constant 0 : i32
      %cond3A_299 = arith.cmpi ne, %convert_element_type3A_297, %cond3A_298 : i32
      scf.if %cond3A_299 {
        %sub3A = arith.constant 2 : i32
        %sub3A_300 = arith.subi %add3A_255, %sub3A : i32
        %ge3A = arith.constant 0 : i32
        %ge3A_301 = arith.cmpi sge, %sub3A_300, %ge3A : i32
        %convert_element_type3A_302 = arith.extui %ge3A_301 : i1 to i32
        %cond3A_303 = arith.constant 0 : i32
        %cond3A_304 = arith.cmpi ne, %convert_element_type3A_302, %cond3A_303 : i32
        scf.if %cond3A_304 {
          %dma_wait3A_325 = arith.constant 0 : i32
          %dma_wait3A_326 = arith.constant 0 : i32
          %dma_wait3A_327 = arith.constant 0 : i32
          %dma_wait3A_328 = tpu.memref_slice %arg7[%dma_wait3A_326, %dma_wait3A_327] : memref<200x64xf32, #tpu.memory_space<vmem>> -> memref<200x64xf32, #tpu.memory_space<vmem>>
          %dma_wait3A_329 = arith.constant 0 : i32
          %dma_wait3A_330 = arith.constant 0 : i32
          %dma_wait3A_331 = tpu.memref_slice %arg4[%dma_wait3A_325, %dma_wait3A_329, %dma_wait3A_330] : memref<4096x200x128xf32, #tpu.memory_space<hbm>> -> memref<1x200x64xf32, #tpu.memory_space<hbm>>
          %dma_wait3A_332 = tpu.memref_squeeze %dma_wait3A_331 : memref<1x200x64xf32, #tpu.memory_space<hbm>> -> memref<200x64xf32, #tpu.memory_space<hbm>>
          %dma_wait3A_333 = arith.constant 0 : i32
          %dma_wait3A_334 = arith.constant 0 : i32
          %dma_wait3A_335 = tpu.memref_slice %arg4[%dma_wait3A_325, %dma_wait3A_333, %dma_wait3A_334] : memref<4096x200x128xf32, #tpu.memory_space<hbm>> -> memref<1x200x64xf32, #tpu.memory_space<hbm>>
          %dma_wait3A_336 = tpu.memref_squeeze %dma_wait3A_335 : memref<1x200x64xf32, #tpu.memory_space<hbm>> -> memref<200x64xf32, #tpu.memory_space<hbm>>
          %dma_wait3A_337 = arith.constant 0 : i32
          %dma_wait3A_338 = arith.constant 0 : i32
          %dma_wait3A_339 = tpu.memref_slice %arg7[%dma_wait3A_337, %dma_wait3A_338] : memref<200x64xf32, #tpu.memory_space<vmem>> -> memref<200x64xf32, #tpu.memory_space<vmem>>
          tpu.wait_dma2 semaphore(%arg16 : memref<!tpu.dma_semaphore, #tpu.memory_space<semaphore_mem>>) src(%dma_wait3A_339 : memref<200x64xf32, #tpu.memory_space<vmem>>) dst(%dma_wait3A_336 : memref<200x64xf32, #tpu.memory_space<hbm>>)
        } else {
        }
        %add3A_305 = arith.constant 2 : i32
        %add3A_306 = arith.addi %add3A_255, %add3A_305 : i32
        %dma_start3A_307 = arith.constant 0 : i32
        %dma_start3A_308 = arith.constant 0 : i32
        %dma_start3A_309 = tpu.memref_slice %arg7[%dma_start3A_307, %dma_start3A_308] : memref<200x64xf32, #tpu.memory_space<vmem>> -> memref<128x64xf32, #tpu.memory_space<vmem>>
        %dma_start3A_310 = arith.constant 0 : i32
        %dma_start3A_311 = tpu.memref_slice %arg5[%add3A_306, %dma_start3A_310] : memref<128x200xi32, #tpu.memory_space<vmem>> -> memref<1x128xi32, #tpu.memory_space<vmem>>
        %dma_start3A_312 = tpu.memref_squeeze %dma_start3A_311 : memref<1x128xi32, #tpu.memory_space<vmem>> -> memref<128xi32, #tpu.memory_space<vmem>>
        %dma_start3A_313 = arith.constant 0 : i32
        %dma_start3A_314 = arith.constant 0 : i32
        %dma_start3A_315 = tpu.memref_slice %arg10[%dma_start3A_313, %dma_start3A_314] : memref<1000x64xf32, #tpu.memory_space<vmem_shared>> -> memref<1000x64xf32, #tpu.memory_space<vmem_shared>>
        tpu.enqueue_indirect_dma source(%dma_start3A_315 : memref<1000x64xf32, #tpu.memory_space<vmem_shared>>) target(%dma_start3A_309 : memref<128x64xf32, #tpu.memory_space<vmem>>) offsets(%dma_start3A_312 : memref<128xi32, #tpu.memory_space<vmem>>) semaphore(%arg12 : memref<!tpu.dma_semaphore, #tpu.memory_space<semaphore_mem>>)
        %dma_start3A_316 = arith.constant 128 : i32
        %dma_start3A_317 = arith.constant 0 : i32
        %dma_start3A_318 = tpu.memref_slice %arg7[%dma_start3A_316, %dma_start3A_317] : memref<200x64xf32, #tpu.memory_space<vmem>> -> memref<72x64xf32, #tpu.memory_space<vmem>>
        %dma_start3A_319 = arith.constant 128 : i32
        %dma_start3A_320 = tpu.memref_slice %arg5[%add3A_306, %dma_start3A_319] : memref<128x200xi32, #tpu.memory_space<vmem>> -> memref<1x72xi32, #tpu.memory_space<vmem>>
        %dma_start3A_321 = tpu.memref_squeeze %dma_start3A_320 : memref<1x72xi32, #tpu.memory_space<vmem>> -> memref<72xi32, #tpu.memory_space<vmem>>
        %dma_start3A_322 = arith.constant 0 : i32
        %dma_start3A_323 = arith.constant 0 : i32
        %dma_start3A_324 = tpu.memref_slice %arg10[%dma_start3A_322, %dma_start3A_323] : memref<1000x64xf32, #tpu.memory_space<vmem_shared>> -> memref<1000x64xf32, #tpu.memory_space<vmem_shared>>
        tpu.enqueue_indirect_dma source(%dma_start3A_324 : memref<1000x64xf32, #tpu.memory_space<vmem_shared>>) target(%dma_start3A_318 : memref<72x64xf32, #tpu.memory_space<vmem>>) offsets(%dma_start3A_321 : memref<72xi32, #tpu.memory_space<vmem>>) semaphore(%arg12 : memref<!tpu.dma_semaphore, #tpu.memory_space<semaphore_mem>>)
      } else {
      }
    }
    %scan3A_48 = arith.constant 32 : i32
    %dma_wait3A = arith.constant 0 : i32
    %dma_wait3A_49 = arith.constant 0 : i32
    %dma_wait3A_50 = arith.constant 0 : i32
    %dma_wait3A_51 = tpu.memref_slice %arg6[%dma_wait3A_49, %dma_wait3A_50] : memref<200x64xf32, #tpu.memory_space<vmem>> -> memref<200x64xf32, #tpu.memory_space<vmem>>
    %dma_wait3A_52 = arith.constant 0 : i32
    %dma_wait3A_53 = arith.constant 0 : i32
    %dma_wait3A_54 = tpu.memref_slice %arg4[%dma_wait3A, %dma_wait3A_52, %dma_wait3A_53] : memref<4096x200x128xf32, #tpu.memory_space<hbm>> -> memref<1x200x64xf32, #tpu.memory_space<hbm>>
    %dma_wait3A_55 = tpu.memref_squeeze %dma_wait3A_54 : memref<1x200x64xf32, #tpu.memory_space<hbm>> -> memref<200x64xf32, #tpu.memory_space<hbm>>
    %dma_wait3A_56 = arith.constant 0 : i32
    %dma_wait3A_57 = arith.constant 0 : i32
    %dma_wait3A_58 = tpu.memref_slice %arg4[%dma_wait3A, %dma_wait3A_56, %dma_wait3A_57] : memref<4096x200x128xf32, #tpu.memory_space<hbm>> -> memref<1x200x64xf32, #tpu.memory_space<hbm>>
    %dma_wait3A_59 = tpu.memref_squeeze %dma_wait3A_58 : memref<1x200x64xf32, #tpu.memory_space<hbm>> -> memref<200x64xf32, #tpu.memory_space<hbm>>
    %dma_wait3A_60 = arith.constant 0 : i32
    %dma_wait3A_61 = arith.constant 0 : i32
    %dma_wait3A_62 = tpu.memref_slice %arg6[%dma_wait3A_60, %dma_wait3A_61] : memref<200x64xf32, #tpu.memory_space<vmem>> -> memref<200x64xf32, #tpu.memory_space<vmem>>
    tpu.wait_dma2 semaphore(%arg15 : memref<!tpu.dma_semaphore, #tpu.memory_space<semaphore_mem>>) src(%dma_wait3A_62 : memref<200x64xf32, #tpu.memory_space<vmem>>) dst(%dma_wait3A_59 : memref<200x64xf32, #tpu.memory_space<hbm>>)
    %dma_wait3A_63 = arith.constant 0 : i32
    %dma_wait3A_64 = arith.constant 0 : i32
    %dma_wait3A_65 = arith.constant 0 : i32
    %dma_wait3A_66 = tpu.memref_slice %arg7[%dma_wait3A_64, %dma_wait3A_65] : memref<200x64xf32, #tpu.memory_space<vmem>> -> memref<200x64xf32, #tpu.memory_space<vmem>>
    %dma_wait3A_67 = arith.constant 0 : i32
    %dma_wait3A_68 = arith.constant 0 : i32
    %dma_wait3A_69 = tpu.memref_slice %arg4[%dma_wait3A_63, %dma_wait3A_67, %dma_wait3A_68] : memref<4096x200x128xf32, #tpu.memory_space<hbm>> -> memref<1x200x64xf32, #tpu.memory_space<hbm>>
    %dma_wait3A_70 = tpu.memref_squeeze %dma_wait3A_69 : memref<1x200x64xf32, #tpu.memory_space<hbm>> -> memref<200x64xf32, #tpu.memory_space<hbm>>
    %dma_wait3A_71 = arith.constant 0 : i32
    %dma_wait3A_72 = arith.constant 0 : i32
    %dma_wait3A_73 = tpu.memref_slice %arg4[%dma_wait3A_63, %dma_wait3A_71, %dma_wait3A_72] : memref<4096x200x128xf32, #tpu.memory_space<hbm>> -> memref<1x200x64xf32, #tpu.memory_space<hbm>>
    %dma_wait3A_74 = tpu.memref_squeeze %dma_wait3A_73 : memref<1x200x64xf32, #tpu.memory_space<hbm>> -> memref<200x64xf32, #tpu.memory_space<hbm>>
    %dma_wait3A_75 = arith.constant 0 : i32
    %dma_wait3A_76 = arith.constant 0 : i32
    %dma_wait3A_77 = tpu.memref_slice %arg7[%dma_wait3A_75, %dma_wait3A_76] : memref<200x64xf32, #tpu.memory_space<vmem>> -> memref<200x64xf32, #tpu.memory_space<vmem>>
    tpu.wait_dma2 semaphore(%arg16 : memref<!tpu.dma_semaphore, #tpu.memory_space<semaphore_mem>>) src(%dma_wait3A_77 : memref<200x64xf32, #tpu.memory_space<vmem>>) dst(%dma_wait3A_74 : memref<200x64xf32, #tpu.memory_space<hbm>>)
    %dma_wait3A_78 = arith.constant 0 : i32
    %dma_wait3A_79 = arith.constant 0 : i32
    %dma_wait3A_80 = arith.constant 0 : i32
    %dma_wait3A_81 = tpu.memref_slice %arg8[%dma_wait3A_79, %dma_wait3A_80] : memref<200x64xf32, #tpu.memory_space<vmem>> -> memref<200x64xf32, #tpu.memory_space<vmem>>
    %dma_wait3A_82 = arith.constant 0 : i32
    %dma_wait3A_83 = arith.constant 0 : i32
    %dma_wait3A_84 = tpu.memref_slice %arg4[%dma_wait3A_78, %dma_wait3A_82, %dma_wait3A_83] : memref<4096x200x128xf32, #tpu.memory_space<hbm>> -> memref<1x200x64xf32, #tpu.memory_space<hbm>>
    %dma_wait3A_85 = tpu.memref_squeeze %dma_wait3A_84 : memref<1x200x64xf32, #tpu.memory_space<hbm>> -> memref<200x64xf32, #tpu.memory_space<hbm>>
    %dma_wait3A_86 = arith.constant 0 : i32
    %dma_wait3A_87 = arith.constant 0 : i32
    %dma_wait3A_88 = tpu.memref_slice %arg4[%dma_wait3A_78, %dma_wait3A_86, %dma_wait3A_87] : memref<4096x200x128xf32, #tpu.memory_space<hbm>> -> memref<1x200x64xf32, #tpu.memory_space<hbm>>
    %dma_wait3A_89 = tpu.memref_squeeze %dma_wait3A_88 : memref<1x200x64xf32, #tpu.memory_space<hbm>> -> memref<200x64xf32, #tpu.memory_space<hbm>>
    %dma_wait3A_90 = arith.constant 0 : i32
    %dma_wait3A_91 = arith.constant 0 : i32
    %dma_wait3A_92 = tpu.memref_slice %arg8[%dma_wait3A_90, %dma_wait3A_91] : memref<200x64xf32, #tpu.memory_space<vmem>> -> memref<200x64xf32, #tpu.memory_space<vmem>>
    tpu.wait_dma2 semaphore(%arg17 : memref<!tpu.dma_semaphore, #tpu.memory_space<semaphore_mem>>) src(%dma_wait3A_92 : memref<200x64xf32, #tpu.memory_space<vmem>>) dst(%dma_wait3A_89 : memref<200x64xf32, #tpu.memory_space<hbm>>)
    %dma_wait3A_93 = arith.constant 0 : i32
    %dma_wait3A_94 = arith.constant 0 : i32
    %dma_wait3A_95 = arith.constant 0 : i32
    %dma_wait3A_96 = tpu.memref_slice %arg9[%dma_wait3A_94, %dma_wait3A_95] : memref<200x64xf32, #tpu.memory_space<vmem>> -> memref<200x64xf32, #tpu.memory_space<vmem>>
    %dma_wait3A_97 = arith.constant 0 : i32
    %dma_wait3A_98 = arith.constant 0 : i32
    %dma_wait3A_99 = tpu.memref_slice %arg4[%dma_wait3A_93, %dma_wait3A_97, %dma_wait3A_98] : memref<4096x200x128xf32, #tpu.memory_space<hbm>> -> memref<1x200x64xf32, #tpu.memory_space<hbm>>
    %dma_wait3A_100 = tpu.memref_squeeze %dma_wait3A_99 : memref<1x200x64xf32, #tpu.memory_space<hbm>> -> memref<200x64xf32, #tpu.memory_space<hbm>>
    %dma_wait3A_101 = arith.constant 0 : i32
    %dma_wait3A_102 = arith.constant 0 : i32
    %dma_wait3A_103 = tpu.memref_slice %arg4[%dma_wait3A_93, %dma_wait3A_101, %dma_wait3A_102] : memref<4096x200x128xf32, #tpu.memory_space<hbm>> -> memref<1x200x64xf32, #tpu.memory_space<hbm>>
    %dma_wait3A_104 = tpu.memref_squeeze %dma_wait3A_103 : memref<1x200x64xf32, #tpu.memory_space<hbm>> -> memref<200x64xf32, #tpu.memory_space<hbm>>
    %dma_wait3A_105 = arith.constant 0 : i32
    %dma_wait3A_106 = arith.constant 0 : i32
    %dma_wait3A_107 = tpu.memref_slice %arg9[%dma_wait3A_105, %dma_wait3A_106] : memref<200x64xf32, #tpu.memory_space<vmem>> -> memref<200x64xf32, #tpu.memory_space<vmem>>
    tpu.wait_dma2 semaphore(%arg18 : memref<!tpu.dma_semaphore, #tpu.memory_space<semaphore_mem>>) src(%dma_wait3A_107 : memref<200x64xf32, #tpu.memory_space<vmem>>) dst(%dma_wait3A_104 : memref<200x64xf32, #tpu.memory_space<hbm>>)
    return
  }
}

</mosaic_0001>

<sc_bundles>
// kernel: kernel.3.cloned.1.call-start
scs
__scs_entry_jumppad:
0x0: {  	(pc) =	sbr.rel $0x88, $3  }
0x1: {  	(tag) =	ssettag $0x0;
	lr =	simm.s32 $0x1  }
0x2: {  	[smem:$0x3F9F] =	sst lr;
	_ =	strace $0xD0000000  }
0x3: {  	_ = 	snop  }
0x4: {  	_ = 	snop  }
0x5: {  	_ = 	snop  }
0x6: {  	_ = 	snop  }
0x7: {  	_ = 	snop  }
__scs_overlays_trampoline_lowered:
0x8: {  	[smem:$0x3FAE] =	sst s0  }
0x9: {  	[smem:$0x3FAF] =	sst s1  }
0xa: {  	[smem:$0x3FB0] =	sst s2  }
0xb: {  	[smem:$0x3FB1] =	sst s3  }
0xc: {  	[smem:$0x3FB2] =	sst s4  }
0xd: {  	[smem:$0x3FB3] =	sst s5  }
0xe: {  	[smem:$0x3FB4] =	sst s6  }
0xf: {  	[smem:$0x3FB5] =	sst s7  }
0x10: {  	[smem:$0x3FB6] =	sst s8  }
0x11: {  	[smem:$0x3FB7] =	sst s9;
	s0 =	simm.s32 @!p0 $0x0  }
0x12: {  	s1 =	sld [smem:$0x3F9D];
	s0 =	simm.s32 @p0 $0x1  }
0x13: {  	[smem:$0x3FB8] =	sst s0;
	s0 =	simm.s32 @!p1 $0x0  }
0x14: {  	s2 =	sld [smem:$0x3F9C];
	s0 =	simm.s32 @p1 $0x1  }
0x15: {  	[smem:$0x3FB9] =	sst s0;
	s0 =	simm.s32 @!p2 $0x0  }
0x16: {  	s3 =	sld [smem:$0x3FDB];
	s0 =	simm.s32 @p2 $0x1  }
0x17: {  	s4 =	simm.s32 $0x1BF5;
	[smem:$0x3FBB] =	sst s0  }
0x18: {  	s0 =	sld [smem:$0x3F9E];
	_ =	swait.ge [sflag:s4], $0x0  }
0x19: {  	s7 =	sld [smem:$0x3F9F]  }
0x1a: {  	s8 =	sadd.s32 $0xFFFFE003, lr  }
0x1b: {  	s9 =	sadd.s32 $0xFFFFFEF7, lr;
	s5 =	simm.s32 $0xFFFFFFFF;
	p2 =	slt.u32 s8, $0xFFFFF086  }
0x1c: {  	p1 =	slt.u32 s9, $0xF7A;
	s5 =	simm.s32 @!p2 $0x0  }
0x1d: {  	s5 =	simm.s32 @p1 $0x1;
	p0 =	seq.s32 s7, s2  }
0x1e: {  	s7 =	smul.u32 @!p0 $0xF7A, s2;
	p2 =	seq.s32 @!p0 s5, $0x0  }
0x1f: {  	s9 =	smul.u32 $0xF7A, s1;
	s8 =	simm.s32 @!p0 $0x1BF5;
	p2 =	por !p2, p0  }
0x20: {  	[sflag:s8] =	ssyncset.s32 @!p0 $0xFFFFF086;
	s6 =	sadd.s32 @!p0 s3, s7;
	s7 =	simm.s32 @!p0 $0x108  }
0x21: {  	s3 =	sadd.s32 s3, s9;
	s6 =	sadd.s32 @!p0 $0x88, s6;
	s7 =	simm.s32 @p2 $0x1082  }
0x22: {  	[simem:s7], [sflag:s8] =	dma.local @!p0 [hbm:s6], $0xF7A  }
0x23: {  	s9 =	sor.u32 $0xD0000000, s2;
	s6 =	simm.s32 $0x108;
	_ =	swait.ge @!p0 [sflag:s8], $0x0  }
0x24: {  	s3 =	sadd.s32 $0x88, s3;
	s6 =	simm.s32 @!p1 $0x1082;
	[sflag:s4] =	ssyncset.s32 $0xFFFFF086  }
0x25: {  	[simem:s6], [sflag:s4] =	dma.local [hbm:s3], $0xF7A  }
0x26: {  	[smem:$0x3F9F] =	sst s1;
	(tag) =	ssettag s2;
	_ =	strace s9  }
0x27: {  	s1 =	sld [smem:$0x3FAF]  }
0x28: {  	s2 =	sld [smem:$0x3FB0]  }
0x29: {  	s4 =	sld [smem:$0x3FB2]  }
0x2a: {  	p0 =	seq.s32 s5, $0x0;
	s5 =	sld [smem:$0x3FB3]  }
0x2b: {  	s6 =	sld [smem:$0x3FB4]  }
0x2c: {  	s7 =	sld [smem:$0x3FB5]  }
0x2d: {  	s3 =	simm.s32 $0x108;
	s8 =	sld [smem:$0x3FB6]  }
0x2e: {  	s3 =	simm.s32 @!p0 $0x1082;
	s9 =	sld [smem:$0x3FB7]  }
0x2f: {  	lr =	sadd.s32 s0, s3;
	s0 =	sld [smem:$0x3FAE]  }
0x30: {  	s3 =	sld [smem:$0x3FB1]  }
0x31: {  	[smem:$0x3FBA] =	sst s10  }
0x32: {  	s10 =	sld [smem:$0x3FB8];
	_ =	sdelay $0x3  }
0x33: {  	p0 =	seq.s32 s10, $0x1;
	s10 =	sld [smem:$0x3FBA];
	_ =	sdelay $0x3  }
0x34: {  	[smem:$0x3FBA] =	sst s10  }
0x35: {  	s10 =	sld [smem:$0x3FB9];
	_ =	sdelay $0x3  }
0x36: {  	p1 =	seq.s32 s10, $0x1;
	s10 =	sld [smem:$0x3FBA];
	_ =	sdelay $0x3  }
0x37: {  	[smem:$0x3FBA] =	sst s10  }
0x38: {  	s10 =	sld [smem:$0x3FBB]  }
0x39: {  	_ = 	snop;
	(pc) =	sbr.ind lr, $3  }
0x3a: {  	_ = 	snop  }
0x3b: {  	_ = 	snop  }
0x3c: {  	p2 =	seq.s32 s10, $0x1;
	s10 =	sld [smem:$0x3FBA]  }
0x3d: {  	_ =	shalt  }
0x3e: {  	_ =	shalt  }
0x3f: {  	_ =	shalt  }
0x40: {  	_ =	shalt  }
0x41: {  	_ =	shalt  }
0x42: {  	_ =	shalt  }
0x43: {  	_ =	shalt  }
0x44: {  	_ =	shalt  }
0x45: {  	_ =	shalt  }
0x46: {  	_ =	shalt  }
0x47: {  	_ =	shalt  }
0x48: {  	_ =	shalt  }
0x49: {  	_ =	shalt  }
0x4a: {  	_ =	shalt  }
0x4b: {  	_ =	shalt  }
0x4c: {  	_ =	shalt  }
0x4d: {  	_ =	shalt  }
0x4e: {  	_ =	shalt  }
0x4f: {  	_ =	shalt  }
0x50: {  	_ =	shalt  }
0x51: {  	_ =	shalt  }
0x52: {  	_ =	shalt  }
0x53: {  	_ =	shalt  }
0x54: {  	_ =	shalt  }
0x55: {  	_ =	shalt  }
0x56: {  	_ =	shalt  }
0x57: {  	_ =	shalt  }
0x58: {  	_ =	shalt  }
0x59: {  	_ =	shalt  }
0x5a: {  	_ =	shalt  }
0x5b: {  	_ =	shalt  }
0x5c: {  	_ =	shalt  }
0x5d: {  	_ =	shalt  }
0x5e: {  	_ =	shalt  }
0x5f: {  	_ =	shalt  }
0x60: {  	_ =	shalt  }
0x61: {  	_ =	shalt  }
0x62: {  	_ =	shalt  }
0x63: {  	_ =	shalt  }
0x64: {  	_ =	shalt  }
0x65: {  	_ =	shalt  }
0x66: {  	_ =	shalt  }
0x67: {  	_ =	shalt  }
0x68: {  	_ =	shalt  }
0x69: {  	_ =	shalt  }
0x6a: {  	_ =	shalt  }
0x6b: {  	_ =	shalt  }
0x6c: {  	_ =	shalt  }
0x6d: {  	_ =	shalt  }
0x6e: {  	_ =	shalt  }
0x6f: {  	_ =	shalt  }
0x70: {  	_ =	shalt  }
0x71: {  	_ =	shalt  }
0x72: {  	_ =	shalt  }
0x73: {  	_ =	shalt  }
0x74: {  	_ =	shalt  }
0x75: {  	_ =	shalt  }
0x76: {  	_ =	shalt  }
0x77: {  	_ =	shalt  }
0x78: {  	_ =	shalt  }
0x79: {  	_ =	shalt  }
0x7a: {  	_ =	shalt  }
0x7b: {  	_ =	shalt  }
0x7c: {  	_ =	shalt  }
0x7d: {  	_ =	shalt  }
0x7e: {  	_ =	shalt  }
0x7f: {  	_ =	shalt  }
0x80: {  	_ =	shalt  }
0x81: {  	_ =	shalt  }
0x82: {  	_ =	shalt  }
0x83: {  	_ =	shalt  }
0x84: {  	_ =	shalt  }
0x85: {  	_ =	shalt  }
0x86: {  	_ =	shalt  }
0x87: {  	_ =	shalt  }
.Lfunc_end0:
.L_simem_size_0:
called_computation.1_lowered:
.L_overlay_start_0:
0x88: {  	s2 =	sld [smem:$0x3FD9]  }
0x89: {  	s3 =	sld [smem:$0x3FFE];
	_ =	sdelay $0x1  }
0x8a: {  	s1 =	srdreg.scid  }
0x8b: {  	s0 =	sand.u32 $0x1, s1  }
0x8c: {  	s17 =	sshll.u32 s0, $0xA;
	s2 =	sadd.s32 s3, s2  }
0x8d: {  	s2 =	sadd.s32 s2, s17  }
0x8e: {  	[smem:$0x3FC6] =	sst s2  }
0x8f: {  	_ = 	snop  }
0x90: {  	s2 =	sld [smem:$0x3FD0];
	(tm) =	ssettm $0x1  }
0x91: {  	s18 =	sld [smem:$0x3FFB];
	_ =	sdelay $0x3  }
0x92: {  	_ =	strace s18  }
0x93: {  	s3 =	sld [smem:$0x3FFC];
	_ =	sdelay $0x3  }
0x94: {  	_ =	strace s3  }
0x95: {  	s3 =	sld [smem:$0x3FFD];
	_ =	sdelay $0x3  }
0x96: {  	_ =	strace s3  }
0x97: {  	_ =	strace $0x8FFFFFFF  }
0x98: {  	s19 =	sld [smem:$0x3FDB];
	_ =	sdelay $0x1  }
0x99: {  	s4 =	simm.s32 $_scs_section_size  }
0x9a: {  	s5 =	simm.s32 $_size__tile_overlayer_lowered;
	s6 =	simm.s32 $_tile_overlayer_lowered  }
0x9b: {  	s22 =	simm.s32 $0x1BFF;
	s21 =	sshll.u32 s6, $0x1;
	s3 =	sadd.s32 s4, s19  }
0x9c: {  	s7 =	simm.s32 $0x0;
	s20 =	sshll.u32 s5, $0x1;
	s5 =	sadd.s32 s21, s3  }
0x9d: {  	[timem:s7], [sflag:s22] =	dma.local [hbm:s5], s20  }
0x9e: {  	_ =	swait.ge [sflag:s22], s20  }
0x9f: {  	s4 =	ssub.s32 $0x0, s20;
	[sflag:s22] =	ssyncset.done $0x0  }
0xa0: {  	[sflag:s22] =	ssyncadd.s32 s4;
	_ =	sdelay $0x1  }
0xa1: {  	s23 =	simm.s32 $0x1B8B  }
0xa2: {  	_ =	swait.ge [sflag:s23], $0x1  }
0xa3: {  	[sflag:s23] =	ssyncset.done $0x0  }
0xa4: {  	s25 =	simm.s32 $0x1B8E;
	s24 =	sld [smem:$0x3FFE];
	[sflag:s23] =	ssyncadd.s32 $0xFFFFFFFF  }
0xa5: {  	s26 =	simm.s32 $execute0_lowered;
	[smem:$0x3FD2] =	sst s25  }
0xa6: {  	s5 =	sshll.u32 s26, $0x1;
	_ =	strace $0x80000046;
	[dreg:$0x1] =	wrdreg $0xFFFFFFFF  }
0xa7: {  	s28 =	simm.s32 $_size_execute0_lowered;
	s3 =	sadd.s32 s3, s5;
	[dreg:$0x0] =	wrdreg $0x0  }
0xa8: {  	s5 =	sshll.u32 s28, $0x1;
	[dreg:$0x2] =	wrdreg s3  }
0xa9: {  	[dreg:$0x3] =	wrdreg s5  }
0xaa: {  	[dreg:$0x4] =	wrdreg $0xC0  }
0xab: {  	_ =	task [dreg:s7], $0x5FFFF  }
0xac: {  	[dreg:$0x1] =	wrdreg $0xFFFFFFFF  }
0xad: {  	[dreg:$0x0] =	wrdreg $0x60  }
0xae: {  	[dreg:$0x2] =	wrdreg s24  }
0xaf: {  	[dreg:$0x3] =	wrdreg s2  }
0xb0: {  	[dreg:$0x4] =	wrdreg $0x12C000  }
0xb1: {  	[dreg:$0x5] =	wrdreg $0x9  }
0xb2: {  	_ =	task.clear_ibuf [dreg:s7], $0x6FFFF;
	_ =	strace $0x90000046  }
0xb3: {  	s29 =	simm.s32 $0x9;
	_ =	strace $0x80000048  }
0xb4: {  	_ =	swait.ge [sflag:s29], $0x1  }
0xb5: {  	[sflag:s29] =	ssyncadd.s32 $0xFFFFFFFF  }
0xb6: {  	_ =	strace $0x90000048  }
0xb7: {  	_ =	sfence  }
0xb8: {  	s30 =	sld [smem:$0x0];
	_ =	sdelay $0x2  }
0xb9: {  	s31 =	sshll.u32 s1, $0xD;
	s1 =	sshrl.u32 s1, $0x2  }
0xba: {  	s3 =	sand.u32 $0x4000, s31;
	s1 =	sadd.s32 s1, s30  }
0xbb: {  	s0 =	sor.u32 s3, s0;
	s1 =	sshll.u32 s1, $0x11  }
0xbc: {  	s0 =	sor.u32 s1, s0  }
0xbd: {  	s0 =	sadd.s32 $0x8F2B, s0  }
0xbe: {  	[sflag:s0] =	ssyncadd.remote.s32 $0x1  }
0xbf: {  	_ =	sfence.sel $0xFFFF  }
0xc0: {  	[dreg:$0x0] =	wrdreg $0xFFFFFFFF;
	(pc) =	sbr.abs _section_cstart, $3  }
0xc1: {  	[dreg:$0x1] =	wrdreg $0xFFFFFFFF  }
0xc2: {  	_ =	task.clear_ibuf [dreg:s7], $0x2FFFF;
	_ =	strace $0x9FFFFFFF  }
0xc3: {  	(tm) =	ssettm $0x7FFFFFFF  }
tec
execute0_lowered:
.L_overlay_start_1:
0x0: {  	(tag) =	ssettag $0x1  }
0x1: {  	s0 =	rddreg [dreg:$0x0]  }
0x2: {  	s4 =	rddreg [dreg:$0x1]  }
0x3: {  	s2 =	srdreg.scid;
	s1 =	rddreg [dreg:$0x2]  }
0x4: {  	s6 =	stileid.u32;
	s22 =	simm.s32 $0x0;
	s10 =	simm.s32 $0x6400  }
0x5: {  	s11 =	simm.s32 $0x48;
	s14 =	simm.s32 $0x9600;
	s16 =	simm.s32 $0xB600  }
0x6: {  	s17 =	simm.s32 $0x1;
	s18 =	simm.s32 $0x40;
	s19 =	simm.s32 $0xC800  }
0x7: {  	s20 =	simm.s32 $0xE800;
	s21 =	simm.s32 $0x2;
	s28 =	simm.s32 $0x6  }
0x8: {  	s29 =	simm.s32 $0x7;
	s30 =	simm.s32 $0x8;
	s31 =	simm.s32 $0x0  }
0x9: {  	s3 =	sand.u32 $0x1, s2;
	s5 =	sshll.u32 s6, $0x8;
	s8 =	smul.u32 $0xC8000, s6  }
0xa: {  	[smem:$0x7FF] =	sst s22;
	s24 =	sadd.s32 $0x800, s0;
	p0 =	sne.s32 s6, $0x0  }
0xb: {  	s22 =	simm.s32 $0xFA00;
	s7 =	sshll.u32 s3, $0x7;
	_ =	strace $0x80000047  }
0xc: {  	s23 =	ssub.s32 $0x2, s3;
	s9 =	smul.u32 $0x64000, s3;
	[dreg:$0x4] =	wrdreg s24  }
0xd: {  	s24 =	simm.s32 $0x3;
	s5 =	sor.u32 s7, s5;
	s0 =	sadd.s32 s8, s0  }
.Ltmp0:
0xe: {  	s25 =	sshrl.u32 s23, $0x1;
	s8 =	simm.s32 $0x9;
	(pc) =	sbr.rel .LBB2_1-.Ltmp0, $4  }
0xf: {  	s5 =	smul.u32 $0x19, s5;
	s7 =	ssub.s32 s23, s25;
	s0 =	sadd.s32 s9, s0  }
0x10: {  	s9 =	simm.s32 $0x80;
	s23 =	simm.s32 $0x11A00;
	s25 =	simm.s32 $0x4  }
0x11: {  	s0 =	sadd.s32 $0x2800, s0;
	s26 =	sadd.s32 s4, s5;
	s5 =	smax.u32 s7, $0x1  }
0x12: {  	s7 =	sshrl.u32 @!p0 s1, $0x3;
	[dreg:$0x5] =	wrdreg s26;
	s26 =	simm.s32 $0x5  }
.LBB2_4:
0x13: {  	_ =	swait.ge [sflag:s26], $0x3200  }
0x14: {  	[sflag:s26] =	ssyncset.done $0x0  }
0x15: {  	[sflag:s26] =	ssyncadd.s32 $0xFFFFCE00  }
0x16: {  	_ =	swait.ge [sflag:s28], $0x3200  }
0x17: {  	[sflag:s28] =	ssyncset.done $0x0  }
0x18: {  	s31 =	sadd.s32 $0x1, s31;
	[sflag:s28] =	ssyncadd.s32 $0xFFFFCE00  }
0x19: {  	p1 =	sne.s32 s31, s5;
	_ =	swait.ge [sflag:s29], $0x3200  }
.Ltmp1:
0x1a: {  	[sflag:s29] =	ssyncset.done $0x0;
	(pc) =	sbr.rel @!p1 .LBB2_5-.Ltmp1, $4  }
0x1b: {  	[sflag:s29] =	ssyncadd.s32 $0xFFFFCE00  }
0x1c: {  	_ =	swait.ge [sflag:s30], $0x3200  }
0x1d: {  	[sflag:s30] =	ssyncset.done $0x0  }
0x1e: {  	[sflag:s30] =	ssyncadd.s32 $0xFFFFCE00  }
.LBB2_1:
0x1f: {  	s6 =	simm.s32 @!p0 $0x1C09;
	s2 =	rddreg [dreg:$0x4]  }
0x20: {  	[spmem:s7], [sflag:s6] =	dma.local @!p0 [hbm:s2], $0x1F40  }
0x21: {  	s6 =	simm.s32 @!p0 $0x9  }
0x22: {  	_ =	swait.ge @!p0 [sflag:s6], $0x1F40  }
0x23: {  	[sflag:s6] =	ssyncset.done @!p0 $0x0  }
0x24: {  	s3 =	rddreg [dreg:$0x5];
	[sflag:s6] =	ssyncadd.s32 @!p0 $0xFFFFE0C0;
	s6 =	simm.s32 $0x0  }
0x25: {  	[tilespmem:s6], [sflag:$0x9] =	stream.linear.gather [hbm4b:s3+s6], $0x6400, $0x38;
	[tilespmem:$0x13BA0] =	vst v63  }
0x26: {  	_ =	swait.ge [sflag:s8], $0x6400  }
0x27: {  	[sflag:s8] =	ssyncset.done $0x0  }
0x28: {  	[sflag:s8] =	ssyncadd.s32 $0xFFFF9C00  }
0x29: {  	[bflag:$0x0] =	sbarrier.arrive $0xFFFF  }
0x2a: {  	[tilespmem:s10], [sflag:$0x1] =	stream.indirect.gather [spmem:s1], $0x40, s6, s9, $0xb8;
	[tilespmem:$0x13BA0] =	vst v63  }
0x2b: {  	s12 =	simm.s32 $0x8400  }
0x2c: {  	[tilespmem:s12], [sflag:$0x1] =	stream.indirect.gather [spmem:s1], $0x40, s9, s11, $0xb8;
	[tilespmem:$0x13BA0] =	vst v63  }
0x2d: {  	s13 =	simm.s32 $0xC8  }
0x2e: {  	[tilespmem:s14], [sflag:$0x2] =	stream.indirect.gather [spmem:s1], $0x40, s13, s9, $0xb8;
	[tilespmem:$0x13BA0] =	vst v63  }
0x2f: {  	s15 =	simm.s32 $0x148;
	s6 =	smov.u32 s0;
	s12 =	simm.s32 $0x0  }
0x30: {  	[tilespmem:s16], [sflag:$0x2] =	stream.indirect.gather [spmem:s1], $0x40, s15, s11, $0xb8;
	[tilespmem:$0x13BA0] =	vst v63  }
.LBB2_2:
0x31: {  	_ =	swait.ge [sflag:s17], $0x2000  }
0x32: {  	[sflag:s17] =	ssyncset.done $0x0  }
0x33: {  	[sflag:s17] =	ssyncadd.s32 $0xFFFFE000  }
0x34: {  	_ =	swait.ge [sflag:s17], $0x1200  }
0x35: {  	p1 =	seq.s32 s12, $0x0;
	[sflag:s17] =	ssyncset.done $0x0  }
0x36: {  	s15 =	simm.s32 @!p1 $0x7;
	[sflag:s17] =	ssyncadd.s32 $0xFFFFEE00  }
0x37: {  	[hbm4b:s6+s18] =	stream.strided.scatter [tilespmem:s10], [sflag:$0x5], $0x3200, s9, s18, $0x38;
	[tilespmem:$0x13BA0] =	vst v63  }
0x38: {  	_ =	swait.ge @!p1 [sflag:s15], $0x3200  }
0x39: {  	s13 =	sshra.s32 s12, $0x2;
	[sflag:s15] =	ssyncset.done @!p1 $0x0  }
0x3a: {  	s2 =	sadd.s32 $0x190, s13;
	[sflag:s15] =	ssyncadd.s32 @!p1 $0xFFFFCE00  }
0x3b: {  	[tilespmem:s19], [sflag:$0x3] =	stream.indirect.gather [spmem:s1], $0x40, s2, s9, $0xb8;
	[tilespmem:$0x13BA0] =	vst v63  }
0x3c: {  	s3 =	sadd.s32 $0x210, s13  }
0x3d: {  	[tilespmem:s20], [sflag:$0x3] =	stream.indirect.gather [spmem:s1], $0x40, s3, s11, $0xb8;
	[tilespmem:$0x13BA0] =	vst v63  }
0x3e: {  	_ =	swait.ge [sflag:s21], $0x2000  }
0x3f: {  	[sflag:s21] =	ssyncset.done $0x0  }
0x40: {  	[sflag:s21] =	ssyncadd.s32 $0xFFFFE000  }
0x41: {  	_ =	swait.ge [sflag:s21], $0x1200  }
0x42: {  	[sflag:s21] =	ssyncset.done $0x0  }
0x43: {  	s4 =	sadd.s32 $0xC80, s6;
	s15 =	simm.s32 @!p1 $0x8;
	[sflag:s21] =	ssyncadd.s32 $0xFFFFEE00  }
0x44: {  	[hbm4b:s4+s18] =	stream.strided.scatter [tilespmem:s14], [sflag:$0x6], $0x3200, s9, s18, $0x38;
	[tilespmem:$0x13BA0] =	vst v63  }
0x45: {  	_ =	swait.ge @!p1 [sflag:s15], $0x3200  }
0x46: {  	[sflag:s15] =	ssyncset.done @!p1 $0x0  }
0x47: {  	s2 =	sadd.s32 $0x258, s13;
	[sflag:s15] =	ssyncadd.s32 @!p1 $0xFFFFCE00  }
0x48: {  	[tilespmem:s22], [sflag:$0x4] =	stream.indirect.gather [spmem:s1], $0x40, s2, s9, $0xb8;
	[tilespmem:$0x13BA0] =	vst v63  }
0x49: {  	s3 =	sadd.s32 $0x2D8, s13  }
0x4a: {  	[tilespmem:s23], [sflag:$0x4] =	stream.indirect.gather [spmem:s1], $0x40, s3, s11, $0xb8;
	[tilespmem:$0x13BA0] =	vst v63  }
0x4b: {  	_ =	swait.ge [sflag:s24], $0x2000  }
0x4c: {  	[sflag:s24] =	ssyncset.done $0x0  }
0x4d: {  	[sflag:s24] =	ssyncadd.s32 $0xFFFFE000  }
0x4e: {  	_ =	swait.ge [sflag:s24], $0x1200  }
0x4f: {  	p1 =	seq.s32 s12, $0x18380;
	[sflag:s24] =	ssyncset.done $0x0  }
0x50: {  	s4 =	sadd.s32 $0x1900, s6;
	s15 =	simm.s32 @!p1 $0x5;
	[sflag:s24] =	ssyncadd.s32 $0xFFFFEE00  }
0x51: {  	[hbm4b:s4+s18] =	stream.strided.scatter [tilespmem:s19], [sflag:$0x7], $0x3200, s9, s18, $0x38;
	[tilespmem:$0x13BA0] =	vst v63  }
0x52: {  	_ =	swait.ge @!p1 [sflag:s15], $0x3200  }
0x53: {  	[sflag:s15] =	ssyncset.done @!p1 $0x0  }
0x54: {  	[sflag:s15] =	ssyncadd.s32 @!p1 $0xFFFFCE00;
	s15 =	sshra.s32 @!p1 s12, $0x2  }
0x55: {  	s3 =	simm.s32 @!p1 $0x80;
	s4 =	simm.s32 @!p1 $0x6400;
	s2 =	sadd.s32 @!p1 $0x320, s15  }
0x56: {  	[tilespmem:s4], [sflag:$0x1] =	stream.indirect.gather @!p1 [spmem:s1], $0x40, s2, s3, $0xb8;
	[tilespmem:$0x13BA0] =	vst v63  }
0x57: {  	s2 =	sadd.s32 @!p1 $0x3A0, s15;
	s3 =	simm.s32 @!p1 $0x48;
	s4 =	simm.s32 @!p1 $0x8400  }
0x58: {  	[tilespmem:s4], [sflag:$0x1] =	stream.indirect.gather @!p1 [spmem:s1], $0x40, s2, s3, $0xb8;
	[tilespmem:$0x13BA0] =	vst v63  }
0x59: {  	_ =	swait.ge [sflag:s25], $0x2000  }
0x5a: {  	[sflag:s25] =	ssyncset.done $0x0  }
.Ltmp2:
0x5b: {  	[sflag:s25] =	ssyncadd.s32 $0xFFFFE000;
	(pc) =	sbr.rel @p1 .LBB2_4-.Ltmp2, $4  }
0x5c: {  	_ =	swait.ge [sflag:s25], $0x1200  }
0x5d: {  	[sflag:s25] =	ssyncset.done $0x0  }
0x5e: {  	s15 =	sadd.s32 $0x2580, s6;
	[sflag:s25] =	ssyncadd.s32 $0xFFFFEE00  }
0x5f: {  	[hbm4b:s15+s18] =	stream.strided.scatter [tilespmem:s22], [sflag:$0x8], $0x3200, s9, s18, $0x38;
	[tilespmem:$0x13BA0] =	vst v63  }
0x60: {  	_ =	swait.ge [sflag:s28], $0x3200  }
.Ltmp3:
0x61: {  	[sflag:s28] =	ssyncset.done $0x0;
	(pc) =	sbr.rel .LBB2_2-.Ltmp3, $4  }
0x62: {  	s2 =	sadd.s32 $0x3E8, s13;
	[sflag:s28] =	ssyncadd.s32 $0xFFFFCE00  }
0x63: {  	[tilespmem:s14], [sflag:$0x2] =	stream.indirect.gather [spmem:s1], $0x40, s2, s9, $0xb8;
	[tilespmem:$0x13BA0] =	vst v63  }
0x64: {  	s15 =	sadd.s32 $0x468, s13;
	s12 =	sadd.s32 $0xC80, s12;
	s6 =	sadd.s32 $0x3200, s6  }
0x65: {  	[tilespmem:s16], [sflag:$0x2] =	stream.indirect.gather [spmem:s1], $0x40, s15, s11, $0xb8;
	[tilespmem:$0x13BA0] =	vst v63  }
.LBB2_5:
0x66: {  	_ =	sfence.sel $0x180000  }
0x67: {  	[bflag:$0x0] =	sbarrier.arrive $0xFFFF  }
0x68: {  	_ =	strace $0x90000047  }
0x69: {  	[bflag:$0x2] =	sbarrier.arrive $0xFFFF  }
0x6a: {  	s0 =	rddreg [dreg:$0x3]  }
0x6b: {  	s0 =	sadd.s32 @!p0 $0x100000, s0  }
0x6c: {  	[sflag:s0] =	ssyncadd.tile.s32 @!p0 $0x1;
	_ =	shalt  }
.Lfunc_end2:
_tile_overlayer_lowered:
.L_overlay_start_2:
0x6d: {  	(tag) =	ssettag $0x2  }
0x6e: {  	s0 =	rddreg [dreg:$0x0];
	s2 =	stileid.u32  }
0x6f: {  	s1 =	rddreg [dreg:$0x1];
	p0 =	sne.s32 s2, $0x0  }
0x70: {  	s3 =	rddreg [dreg:$0x2];
	[bflag:$0x3] =	sbarrier.arrive $0xFFFF;
	s2 =	simm.s32 @!p0 $0x1C09  }
0x71: {  	[timem:s3], [sflag:s2] =	dma.local @!p0 [hbm:s0], s1  }
0x72: {  	s0 =	simm.s32 @!p0 $0x9  }
0x73: {  	_ =	swait.ge @!p0 [sflag:s0], s1  }
0x74: {  	s1 =	ssub.s32 @!p0 $0x0, s1;
	[sflag:s0] =	ssyncset.done @!p0 $0x0  }
0x75: {  	[sflag:s0] =	ssyncadd.s32 @!p0 s1  }
0x76: {  	[bflag:$0x3] =	sbarrier.arrive $0xFFFF  }
0x77: {  	_ =	shalt  }

// kernel: sparse-core-data-format-call.cloned.1.call-start
scs
called_computation_lowered:
.L_overlay_start_0:
0x0: {  	s2 =	sld [smem:$0x3FD9]  }
0x1: {  	s3 =	sld [smem:$0x3FFE];
	_ =	sdelay $0x1  }
0x2: {  	s1 =	srdreg.scid  }
0x3: {  	s0 =	sand.u32 $0x1, s1  }
0x4: {  	s18 =	sshll.u32 s0, $0xA;
	s2 =	sadd.s32 s3, s2  }
0x5: {  	s2 =	sadd.s32 s2, s18  }
0x6: {  	[smem:$0x3FC6] =	sst s2  }
0x7: {  	_ = 	snop  }
0x8: {  	s2 =	sld [smem:$0x3FD0];
	(tm) =	ssettm $0x1  }
0x9: {  	s19 =	sld [smem:$0x3FFB];
	_ =	sdelay $0x3  }
0xa: {  	_ =	strace s19  }
0xb: {  	s3 =	sld [smem:$0x3FFC];
	_ =	sdelay $0x3  }
0xc: {  	_ =	strace s3  }
0xd: {  	s3 =	sld [smem:$0x3FFD];
	_ =	sdelay $0x3  }
0xe: {  	_ =	strace s3  }
0xf: {  	_ =	strace $0x8FFFFFFF  }
0x10: {  	s20 =	sld [smem:$0x3FDB];
	_ =	sdelay $0x1  }
0x11: {  	s4 =	simm.s32 $_scs_section_size  }
0x12: {  	s5 =	simm.s32 $_size__tile_overlayer_lowered;
	s6 =	simm.s32 $_tile_overlayer_lowered  }
0x13: {  	s23 =	simm.s32 $0x1BFF;
	s22 =	sshll.u32 s6, $0x1;
	s3 =	sadd.s32 s4, s20  }
0x14: {  	s7 =	simm.s32 $0x0;
	s21 =	sshll.u32 s5, $0x1;
	s5 =	sadd.s32 s22, s3  }
0x15: {  	[timem:s7], [sflag:s23] =	dma.local [hbm:s5], s21  }
0x16: {  	_ =	swait.ge [sflag:s23], s21  }
0x17: {  	s4 =	ssub.s32 $0x0, s21;
	[sflag:s23] =	ssyncset.done $0x0  }
0x18: {  	[sflag:s23] =	ssyncadd.s32 s4;
	_ =	sdelay $0x1  }
0x19: {  	s24 =	simm.s32 $0x1B8B  }
0x1a: {  	_ =	swait.ge [sflag:s24], $0x1  }
0x1b: {  	[sflag:s24] =	ssyncset.done $0x0  }
0x1c: {  	s26 =	simm.s32 $0x1B8E;
	s25 =	sld [smem:$0x3FFE];
	[sflag:s24] =	ssyncadd.s32 $0xFFFFFFFF  }
0x1d: {  	s27 =	simm.s32 $execute0_lowered;
	[smem:$0x3FD2] =	sst s26  }
0x1e: {  	s5 =	sshll.u32 s27, $0x1;
	_ =	strace $0x80000049;
	[dreg:$0x1] =	wrdreg $0xFFFFFFFF  }
0x1f: {  	s28 =	simm.s32 $_size_execute0_lowered;
	s3 =	sadd.s32 s3, s5;
	[dreg:$0x0] =	wrdreg $0x0  }
0x20: {  	s5 =	sshll.u32 s28, $0x1;
	[dreg:$0x2] =	wrdreg s3  }
0x21: {  	[dreg:$0x3] =	wrdreg s5  }
0x22: {  	[dreg:$0x4] =	wrdreg $0xC0  }
0x23: {  	_ =	task [dreg:s7], $0x5FFFF  }
0x24: {  	[dreg:$0x1] =	wrdreg $0xFFFFFFFF  }
0x25: {  	[dreg:$0x0] =	wrdreg $0x60  }
0x26: {  	[dreg:$0x2] =	wrdreg s25  }
0x27: {  	[dreg:$0x3] =	wrdreg s2  }
0x28: {  	[dreg:$0x4] =	wrdreg $0x9  }
0x29: {  	_ =	task.clear_ibuf [dreg:s7], $0x5FFFF;
	_ =	strace $0x90000049  }
0x2a: {  	s29 =	simm.s32 $0x9;
	_ =	strace $0x8000004B  }
0x2b: {  	_ =	swait.ge [sflag:s29], $0x1  }
0x2c: {  	[sflag:s29] =	ssyncadd.s32 $0xFFFFFFFF  }
0x2d: {  	_ =	strace $0x9000004B  }
0x2e: {  	_ =	sfence  }
0x2f: {  	s30 =	sld [smem:$0x0];
	_ =	sdelay $0x2  }
0x30: {  	s31 =	sshll.u32 s1, $0xD;
	s1 =	sshrl.u32 s1, $0x2  }
0x31: {  	s3 =	sand.u32 $0x4000, s31;
	s1 =	sadd.s32 s1, s30  }
0x32: {  	s0 =	sor.u32 s3, s0;
	s1 =	sshll.u32 s1, $0x11  }
0x33: {  	s0 =	sor.u32 s1, s0  }
0x34: {  	s0 =	sadd.s32 $0x8F2B, s0  }
0x35: {  	[sflag:s0] =	ssyncadd.remote.s32 $0x1  }
0x36: {  	_ =	sfence.sel $0xFFFF  }
0x37: {  	[dreg:$0x0] =	wrdreg $0xFFFFFFFF;
	(pc) =	sbr.abs _section_cstart, $3  }
0x38: {  	[dreg:$0x1] =	wrdreg $0xFFFFFFFF  }
0x39: {  	_ =	task.clear_ibuf [dreg:s7], $0x2FFFF;
	_ =	strace $0x9FFFFFFF  }
0x3a: {  	(tm) =	ssettm $0x7FFFFFFF  }
0x3b: {  	_ =	shalt  }
tec
execute0_lowered:
.L_overlay_start_1:
0x0: {  	(tag) =	ssettag $0x1  }
0x1: {  	s0 =	srdreg.scid  }
0x2: {  	s1 =	sshll.u32 s0, $0x4  }
0x3: {  	s0 =	stileid.u32;
	s1 =	sand.u32 $0x10, s1  }
0x4: {  	s1 =	sor.u32 s0, s1  }
0x5: {  	s6 =	rddreg [dreg:$0x0];
	s4 =	simm.s32 $0x1;
	s2 =	sshll.u32 s1, $0x7  }
0x6: {  	s7 =	simm.s32 $0x2;
	s12 =	simm.s32 $0x0;
	s1 =	ssub.s32 $0x1000, s2  }
0x7: {  	s8 =	simm.s32 $0x8000;
	s13 =	simm.s32 $0x0;
	s3 =	sand.u32 $0xF80, s1  }
0x8: {  	s9 =	simm.s32 $0x0;
	s5 =	sshrl.u32 s1, $0xC;
	p0 =	sne.s32 s3, $0x0  }
.Ltmp0:
0x9: {  	s1 =	rddreg [dreg:$0x2];
	s4 =	simm.s32 @!p0 $0x0;
	(pc) =	sbr.rel .LBB1_1-.Ltmp0, $4  }
0xa: {  	s11 =	simm.s32 $0x0;
	s3 =	rddreg [dreg:$0x1];
	s5 =	sadd.s32 s4, s5  }
0xb: {  	_ =	strace $0x8000004A;
	s4 =	simm.s32 $0x1;
	s5 =	smul.u32 $0xC8, s5  }
0xc: {  	s6 =	sadd.s32 $0x2800, s6;
	s10 =	smov.u32 s2;
	[sflag:s4] =	ssyncpa.u1 $0x0  }
0xd: {  	p0 =	por $0x0, $0x0;
	[sflag:s7] =	ssyncpa.u1 $0x0;
	s7 =	sor.u32 $0x1, s5  }
.LBB1_4:
0xe: {  	s16 =	sshll.u32 s13, $0x3;
	s17 =	sand.u32 $0x78, s13  }
0xf: {  	s30 =	sand.u32 $0x7E00, s13;
	s12 =	sshll.u32 s12, $0xF;
	s16 =	sand.u32 $0xC00, s16  }
0x10: {  	[tilespmem:s15+$0x810 ss:$0x81] =	vst.msk $0xffff, v2;
	s31 =	sand.u32 $0x7, s13;
	s16 =	sor.u32 s17, s16;
	s17 =	sadd.s32 s3, s30  }
0x11: {  	[tilespmem:s15+$0x1020 ss:$0x81] =	vst.msk $0xffff, v0;
	s13 =	sshll.u32 s31, $0x12;
	s12 =	sadd.s32 s12, s17;
	s16 =	sshrl.u32 s16, $0x3  }
0x12: {  	[tilespmem:s15+$0x0 ss:$0x81] =	vst.msk $0xffff, v1;
	s13 =	sor.u32 $0x400, s13;
	s12 =	sadd.s32 s16, s12  }
0x13: {  	[hbm4b:s12+s13] =	stream.strided.scatter [tilespmem:s14], [sflag:$0x2], $0x2000, s8, s13, $0x20;
	[tilespmem:$0x8080] =	vst v63  }
.LBB1_5:
0x14: {  	s14 =	sadd.s32 $0x1, s9  }
0x15: {  	s12 =	sadd.s32 $0x1000, s10;
	s16 =	smov.u32 s10;
	p2 =	sgt.s32 s14, $0xC7  }
0x16: {  	s16 =	smov.u32 @p2 s12  }
0x17: {  	s14 =	simm.s32 @p2 $0x0;
	p2 =	sgt.s32 s16, $0xFFF  }
0x18: {  	s16 =	smov.u32 @p2 s2;
	p2 =	sne.s32 s11, s7  }
.Ltmp1:
0x19: {  	p1 =	slt.u32 s11, $0x2;
	(pc) =	sbr.rel @!p2 .LBB1_6-.Ltmp1, $4  }
0x1a: {  	s15 =	simm.s32 @!p1 $0x2  }
0x1b: {  	s13 =	smov.u32 s10;
	p0 =	por !p0, !p0;
	_ =	swait.ge @!p1 [sflag:s15], $0x2000  }
0x1c: {  	s12 =	smov.u32 s9;
	[sflag:s15] =	ssyncset.done @!p1 $0x0;
	s9 =	smov.u32 s14  }
0x1d: {  	s11 =	sadd.s32 $0x1, s11;
	[sflag:s15] =	ssyncadd.s32 @!p1 $0xFFFFE000;
	s10 =	smov.u32 s16  }
.LBB1_1:
0x1e: {  	p1 =	sge.u32 s11, s5  }
0x1f: {  	s14 =	sand.u32 @!p1 $0x1FFFFFF, s9  }
0x20: {  	s15 =	smulhi.u32 @!p1 $0x147AE15, s14;
	_ =	sdelay $0x1  }
0x21: {  	s15 =	smul.u32 @!p1 $0xC8, s15  }
0x22: {  	s16 =	sxor.u32 @!p1 $0xFFFFFFFF, s11;
	s17 =	smul.u32 @!p1 $0xC80, s10  }
0x23: {  	s31 =	sadd.s32 $0xFFFFFFFF, s11;
	s16 =	sshll.u32 @!p1 s16, $0xD;
	s14 =	ssub.s32 @!p1 s14, s15  }
0x24: {  	s15 =	sand.u32 @!p1 $0x2000, s16;
	s16 =	sadd.s32 @!p1 s6, s17;
	s14 =	sshll.u32 @!p1 s14, $0x4  }
0x25: {  	s17 =	simm.s32 @!p1 $0x6400;
	s14 =	sadd.s32 @!p1 s14, s16;
	s16 =	simm.s32 @!p1 $0x40  }
0x26: {  	[tilespmem:s15], [sflag:$0x1] =	stream.strided.gather @!p1 [hbm4b:s14+s16], $0x2000, s17, s16, $0x38;
	[tilespmem:$0x8080] =	vst v63  }
0x27: {  	p1 =	sge.u32 s31, s5  }
.Ltmp2:
0x28: {  	_ = 	snop;
	(pc) =	sbr.rel @p1 .LBB1_5-.Ltmp2, $1  }
0x29: {  	_ =	sdelay $0x3  }
0x2a: {  	s14 =	simm.s32 $0x1  }
0x2b: {  	_ =	swait.ge [sflag:s4], $0x2000;
	s14 =	simm.s32 @!p0 $0x0  }
0x2c: {  	[sflag:s4] =	ssyncset.done $0x0;
	s15 =	sshll.u32 s14, $0xD  }
0x2d: {  	[sflag:s4] =	ssyncadd.s32 $0xFFFFE000;
	s18 =	sor.u32 $0x20, s15  }
0x2e: {  	s14 =	smul.u32 $0x8100, s14;
	v3 =	vld [tilespmem:s18+$0x10]  }
0x2f: {  	s30 =	sand.u32 $0x1, s11;
	v2 =	vld [tilespmem:s18+$0xFFFFFFF0]  }
0x30: {  	s15 =	smul.u32 $0x8100, s30;
	s14 =	sshrl.u32 s14, $0x2;
	v0 =	vld [tilespmem:s18+$0x0]  }
0x31: {  	v1 =	vld [tilespmem:s18+$0xFFFFFFE0];
	s16 =	sor.u32 $0x4000, s14  }
0x32: {  	s31 =	sshrl.u32 s15, $0x2;
	s15 =	sadd.s32 $0x0, s16  }
0x33: {  	s17 =	simm.s32 $0x4;
	s18 =	sadd.s32 $0x40, s18;
	s14 =	sor.u32 $0x4000, s31;
	[tilespmem:s15+$0x1830 ss:$0x81] =	vst.msk $0xffff, v3  }
.LBB1_3:
0x34: {  	v3 =	vld [tilespmem:s18+$0x10];
	p1 =	sne.s32 s17, $0x1FC;
	[tilespmem:s15+$0x810 ss:$0x81] =	vst.msk $0xffff, v2;
	s19 =	smov.u32 s17;
	s17 =	sadd.s32 $0x4, s17  }
.Ltmp3:
0x35: {  	v2 =	vld [tilespmem:s18+$0xFFFFFFF0];
	[tilespmem:s15+$0x1020 ss:$0x81] =	vst.msk $0xffff, v0;
	(pc) =	sbr.rel @p1 .LBB1_3-.Ltmp3, $4  }
0x36: {  	v0 =	vld [tilespmem:s18+$0x0];
	[tilespmem:s15+$0x0 ss:$0x81] =	vst.msk $0xffff, v1  }
0x37: {  	s15 =	sshra.s32 s19, $0x2;
	v1 =	vld [tilespmem:s18+$0xFFFFFFE0]  }
0x38: {  	s15 =	sadd.s32 s15, s16  }
0x39: {  	s18 =	sadd.s32 $0x40, s18;
	[tilespmem:s15+$0x1830 ss:$0x81] =	vst.msk $0xffff, v3  }
.Ltmp4:
0x3a: {  	_ = 	snop;
	(pc) =	sbr.rel .LBB1_4-.Ltmp4, $1  }
0x3b: {  	_ =	sdelay $0x3  }
.LBB1_6:
0x3c: {  	_ =	sfence.sel $0x180000  }
0x3d: {  	s2 =	simm.s32 $0x1;
	[bflag:$0x0] =	sbarrier.arrive $0xFFFF  }
0x3e: {  	s31 =	simm.s32 $0x2;
	[sflag:s2] =	ssyncpa.u1 $0x1  }
0x3f: {  	[sflag:s31] =	ssyncpa.u1 $0x1  }
0x40: {  	p0 =	sne.s32 s0, $0x0;
	_ =	strace $0x9000004A  }
0x41: {  	s0 =	sadd.s32 @!p0 $0x100000, s1;
	[bflag:$0x2] =	sbarrier.arrive $0xFFFF  }
0x42: {  	[sflag:s0] =	ssyncadd.tile.s32 @!p0 $0x1;
	_ =	shalt  }
.Lfunc_end1:
_tile_overlayer_lowered:
.L_overlay_start_2:
0x43: {  	(tag) =	ssettag $0x2  }
0x44: {  	s0 =	rddreg [dreg:$0x0];
	s2 =	stileid.u32  }
0x45: {  	s1 =	rddreg [dreg:$0x1];
	p0 =	sne.s32 s2, $0x0  }
0x46: {  	s3 =	rddreg [dreg:$0x2];
	[bflag:$0x3] =	sbarrier.arrive $0xFFFF;
	s2 =	simm.s32 @!p0 $0x1C01  }
0x47: {  	[timem:s3], [sflag:s2] =	dma.local @!p0 [hbm:s0], s1  }
0x48: {  	s0 =	simm.s32 @!p0 $0x1  }
0x49: {  	_ =	swait.ge @!p0 [sflag:s0], s1  }
0x4a: {  	s1 =	ssub.s32 @!p0 $0x0, s1;
	[sflag:s0] =	ssyncset.done @!p0 $0x0  }
0x4b: {  	[sflag:s0] =	ssyncadd.s32 @!p0 s1  }
0x4c: {  	[bflag:$0x3] =	sbarrier.arrive $0xFFFF  }
0x4d: {  	_ =	shalt  }

</sc_bundles>
